<compile_context>
chip_gen: v7x
topology: tpu7x:2x2x1
jax: 0.10.2.dev20260603
libtpu: 0.0.44.dev20260713+nightly
codegen_flags: <defaults>
</compile_context>

<pallas_src>
import jax
import jax.numpy as jnp
from jax import lax
from jax.experimental import pallas as pl
from jax.experimental.pallas import tpu as pltpu
from jax.experimental.pallas import tpu_sc as plsc

N = 10000
E = 160000
D = 256
H = 128
NP = 10240
NSC = 2
NTILE = 16
SLAB = NP // NTILE

KA_CH = 40
KA = 125
KC_CH = 125
KC = 80


def _sc_mesh():
    return plsc.VectorSubcoreMesh(
        core_axis_name="c", subcore_axis_name="s",
        num_cores=NSC, num_subcores=NTILE)


def _deg_body(col_hbm, deg_out, col_v, ones_v, zbuf, acc, sem):
    c = lax.axis_index("c")
    s = lax.axis_index("s")
    wid = c * NTILE + s
    for i in range(0, 128, 16):
        ones_v[pl.ds(i, 16)] = jnp.ones((16,), jnp.float32)
    def zb(j, _):
        zbuf[pl.ds(j * 16, 16)] = jnp.zeros((16,), jnp.float32)
        return 0
    lax.fori_loop(0, SLAB // 16, zb, 0)
    pltpu.sync_copy(zbuf, acc.at[pl.ds(s * SLAB, SLAB)])
    pltpu.sync_copy(col_hbm.at[wid], col_v)
    plsc.subcore_barrier()
    src = ones_v.at[pl.ds(0, KA)]
    FK = 8
    def rnd(r, _):
        for q in range(FK):
            pltpu.async_copy(src, acc.at[col_v.at[r * FK + q]], sem, add=True)
        for q in range(FK):
            pltpu.make_async_copy(src, acc.at[col_v.at[r * FK + q]], sem).wait()
        return 0
    lax.fori_loop(0, KA_CH // FK, rnd, 0)
    plsc.subcore_barrier()
    pltpu.sync_copy(acc.at[pl.ds(s * SLAB, SLAB)],
                    deg_out.at[c, pl.ds(s * SLAB, SLAB)])


def _deg_call(col_a):
    f = pl.kernel(
        _deg_body,
        out_type=jax.ShapeDtypeStruct((NSC, NP), jnp.float32),
        mesh=_sc_mesh(),
        scratch_types=[
            pltpu.VMEM((KA_CH, KA), jnp.int32),
            pltpu.VMEM((128,), jnp.float32),
            pltpu.VMEM((SLAB,), jnp.float32),
            pltpu.VMEM_SHARED((NP,), jnp.float32),
            pltpu.SemaphoreType.DMA,
        ])
    return f(col_a)


def _prop_body(xs2_hbm, row_hbm, col_hbm, x1_out,
               col_v, b0, b1, b2, r0, r1, r2,
               acc, gs0, gs1, gs2, ss0, ss1, ss2, rs0, rs1, rs2):
    c = lax.axis_index("c")
    s = lax.axis_index("s")
    bufs = (b0, b1, b2)
    ridx = (r0, r1, r2)
    gsem = (gs0, gs1, gs2)
    ssem = (ss0, ss1, ss2)
    rsem = (rs0, rs1, rs2)

    def zb(j, _):
        for i in range(H // 16):
            b0[j, pl.ds(i * 16, 16)] = jnp.zeros((16,), jnp.float32)
        return 0
    lax.fori_loop(0, KC, zb, 0)
    for q in range(SLAB // KC):
        pltpu.sync_copy(b0, acc.at[pl.ds(s * SLAB + q * KC, KC)])
    pltpu.sync_copy(col_hbm.at[s], col_v)
    plsc.subcore_barrier()

    def fire_ridx(j, b):
        pltpu.async_copy(row_hbm.at[c, s, j], ridx[b], rsem[b])

    def wait_ridx(j, b):
        pltpu.make_async_copy(row_hbm.at[c, s, j], ridx[b], rsem[b]).wait()

    def fire_gather(b):
        pltpu.async_copy(xs2_hbm.at[ridx[b]], bufs[b], gsem[b])

    def wait_gather(b):
        pltpu.make_async_copy(xs2_hbm.at[ridx[b]], bufs[b], gsem[b]).wait()

    def fire_scatter(j, b):
        pltpu.async_copy(bufs[b], acc.at[col_v.at[j]], ssem[b], add=True)

    def wait_scatter(j, b):
        pltpu.make_async_copy(bufs[b], acc.at[col_v.at[j]], ssem[b]).wait()

    fire_ridx(0, 0)
    fire_ridx(1, 1)
    fire_ridx(2, 2)
    wait_ridx(0, 0)
    fire_gather(0)
    wait_ridx(1, 1)
    fire_gather(1)

    def chunk(j, b):
        wait_gather(b)
        fire_scatter(j, b)
        @pl.when(j + 3 < KC_CH)
        def _():
            fire_ridx(j + 3, b)
        bn = (b + 2) % 3
        @pl.when(j + 2 < KC_CH)
        def _():
            @pl.when(j >= 1)
            def _():
                wait_scatter(j - 1, bn)
            wait_ridx(j + 2, bn)
            fire_gather(bn)

    def body(k, _):
        j0 = 3 * k
        chunk(j0, 0)
        chunk(j0 + 1, 1)
        chunk(j0 + 2, 2)
        return 0
    nfull = (KC_CH // 3) * 3
    lax.fori_loop(0, KC_CH // 3, body, 0)
    for j in range(nfull, KC_CH):
        b = j % 3
        wait_gather(b)
        fire_scatter(j, b)
    for j in range(KC_CH - 3, KC_CH):
        wait_scatter(j, j % 3)

    plsc.subcore_barrier()
    pltpu.sync_copy(acc.at[pl.ds(s * SLAB, SLAB)],
                    x1_out.at[c, pl.ds(s * SLAB, SLAB)])


def _prop_call(xs2, row2, col_c):
    f = pl.kernel(
        _prop_body,
        out_type=jax.ShapeDtypeStruct((NSC, NP, H), jnp.float32),
        mesh=_sc_mesh(),
        scratch_types=[
            pltpu.VMEM((KC_CH, KC), jnp.int32),
            pltpu.VMEM((KC, H), jnp.float32),
            pltpu.VMEM((KC, H), jnp.float32),
            pltpu.VMEM((KC, H), jnp.float32),
            pltpu.VMEM((KC,), jnp.int32),
            pltpu.VMEM((KC,), jnp.int32),
            pltpu.VMEM((KC,), jnp.int32),
            pltpu.VMEM_SHARED((NP, H), jnp.float32),
            pltpu.SemaphoreType.DMA,
            pltpu.SemaphoreType.DMA,
            pltpu.SemaphoreType.DMA,
            pltpu.SemaphoreType.DMA,
            pltpu.SemaphoreType.DMA,
            pltpu.SemaphoreType.DMA,
            pltpu.SemaphoreType.DMA,
            pltpu.SemaphoreType.DMA,
            pltpu.SemaphoreType.DMA,
        ])
    return f(xs2, row2, col_c)


def _scale_body(degT_ref, x_ref, out_ref):
    deg = degT_ref[:, 0:1] + degT_ref[:, 1:2]
    dis = lax.rsqrt(deg)
    xs = x_ref[...] * dis
    out_ref[0] = xs[:, :H]
    out_ref[1] = xs[:, H:]


RB = 2000


def _scale_call(degT, x):
    return pl.pallas_call(
        _scale_body,
        grid=(N // RB,),
        in_specs=[
            pl.BlockSpec((RB, NSC), lambda i: (i, 0)),
            pl.BlockSpec((RB, D), lambda i: (i, 0)),
        ],
        out_specs=pl.BlockSpec((NSC, RB, H), lambda i: (0, i, 0)),
        out_shape=jax.ShapeDtypeStruct((NSC, NP, H), jnp.float32),
    )(degT, x)


def _comb_body(degT_ref, x_ref, x1r_ref, w_ref, b_ref, t_ref, out_ref):
    deg = degT_ref[:, 0:1] + degT_ref[:, 1:2]
    dis = jnp.where(deg > 0.0, lax.rsqrt(deg), 0.0)
    x1 = jnp.concatenate([x1r_ref[0], x1r_ref[1]], axis=1) * dis
    t = t_ref[0, 0]
    et = jnp.exp(-t)
    y = et * x_ref[...] + (et * t) * x1
    out_ref[...] = lax.dot_general(
        y, w_ref[...], (((1,), (1,)), ((), ())),
        preferred_element_type=jnp.float32) + b_ref[...]


def _comb_call(degT, x, x1r, W, b2, t2):
    return pl.pallas_call(
        _comb_body,
        grid=(N // RB,),
        in_specs=[
            pl.BlockSpec((RB, NSC), lambda i: (i, 0)),
            pl.BlockSpec((RB, D), lambda i: (i, 0)),
            pl.BlockSpec((NSC, RB, H), lambda i: (0, i, 0)),
            pl.BlockSpec((D, D), lambda i: (0, 0)),
            pl.BlockSpec((1, D), lambda i: (0, 0)),
            pl.BlockSpec((1, 1), lambda i: (0, 0)),
        ],
        out_specs=pl.BlockSpec((RB, D), lambda i: (i, 0)),
        out_shape=jax.ShapeDtypeStruct((N, D), jnp.float32),
    )(degT, x, x1r, W, b2, t2)


def kernel(x, edge_index, W, b, t):
    row = edge_index[0]
    col = edge_index[1]
    col_a = col.reshape(NSC * NTILE, KA_CH, KA)
    col_c = col.reshape(NTILE, KC_CH, KC)
    row2 = jnp.stack([row, row + NP]).reshape(NSC, NTILE, KC_CH, KC)

    deg_part = _deg_call(col_a)
    degT = deg_part.T
    xs2 = _scale_call(degT, x).reshape(NSC * NP, H)
    x1r = _prop_call(xs2, row2, col_c)
    return _comb_call(degT, x, x1r, W,
                      b.reshape(1, D), t.reshape(1, 1))

# --- scband reference (transcript-rebuilt; emitter-appended) ---
"""Pipeline reference for scband-gcnplus-conv-910533067252 (READ-ONLY COPY).

The authoritative reference and input builder live on the scoring server;
editing this copy changes nothing except your own understanding.
"""

import jax, jax.numpy as jnp
import numpy as np

N = 10000
E = 160000
D_IN = 256
D_OUT = 256
INIT_T = 1.0


def setup_inputs(seed: int = 0) -> dict:
    key = jax.random.key(seed)
    k1, k2, k3, k4 = jax.random.split(key, 4)
    x = jax.random.normal(k1, (N, D_IN), dtype=jnp.float32)
    edge_index = jax.random.randint(k2, (2, E), 0, N, dtype=jnp.int32)
    # Learned parameters
    W = jax.random.normal(k3, (D_OUT, D_IN), dtype=jnp.float32) * (1.0 / np.sqrt(D_IN))
    b = jax.random.normal(k4, (D_OUT,), dtype=jnp.float32) * 0.01
    t = jnp.full((1,), INIT_T, dtype=jnp.float32)  # TDConv.t, init'd to init_t
    return {"x": x, "edge_index": edge_index, "W": W, "b": b, "t": t}


def reference(x, edge_index, W, b, t):
    # TDConv forward (step=2, aggr='add', GCN-style symmetric normalization)
    row = edge_index[0]
    col = edge_index[1]
    num_nodes = x.shape[0]
    # deg = degree(col, N)
    deg = jnp.zeros((num_nodes,), dtype=x.dtype).at[col].add(1.0)
    deg_inv_sqrt = deg ** -0.5
    norm = deg_inv_sqrt[row] * deg_inv_sqrt[col]
    # x_list[0] = x; x_list[1] = propagate(edge_index, x, norm)
    # message: norm.view(-1,1) * x_j where x_j = x[row]; scatter-add at col
    msg = norm[:, None] * x[row]
    x1 = jnp.zeros_like(x).at[col].add(msg)
    # Taylor-decay combination: y = exp(-t)*(t^0/0!)*x0 + exp(-t)*(t^1/1!)*x1
    et = jnp.exp(-t)  # shape (1,), broadcasts
    y = et * x + (et * t) * x1
    # GCNPlusConv linear layer
    out = y @ W.T + b
    return out

if __name__ == "__main__":
    import jax
    _d = setup_inputs()
    print(jax.jit(kernel)(*tuple(_d.values())))

</pallas_src>

<mosaic_0001>
#map = affine_map<(d0, d1) -> (0, 0)>
#map1 = affine_map<(d0, d1) -> (0, 0, 0, 0)>
#map2 = affine_map<(d0, d1) -> (0, 0, 0)>
module attributes {stable_mosaic.version = 14 : i64} {
  func.func @_prop_body(%arg0: i32, %arg1: i32, %arg2: memref<20480x128xf32, #tpu.memory_space<hbm>>, %arg3: memref<2x16x125x80xi32, #tpu.memory_space<hbm>>, %arg4: memref<16x125x80xi32, #tpu.memory_space<hbm>>, %arg5: memref<2x10240x128xf32, #tpu.memory_space<hbm>>, %arg6: memref<125x80xi32, #tpu.memory_space<vmem>>, %arg7: memref<80x128xf32, #tpu.memory_space<vmem>>, %arg8: memref<80x128xf32, #tpu.memory_space<vmem>>, %arg9: memref<80x128xf32, #tpu.memory_space<vmem>>, %arg10: memref<80xi32, #tpu.memory_space<vmem>>, %arg11: memref<80xi32, #tpu.memory_space<vmem>>, %arg12: memref<80xi32, #tpu.memory_space<vmem>>, %arg13: memref<10240x128xf32, #tpu.memory_space<vmem_shared>>, %arg14: memref<!tpu.dma_semaphore, #tpu.memory_space<semaphore_mem>>, %arg15: memref<!tpu.dma_semaphore, #tpu.memory_space<semaphore_mem>>, %arg16: memref<!tpu.dma_semaphore, #tpu.memory_space<semaphore_mem>>, %arg17: memref<!tpu.dma_semaphore, #tpu.memory_space<semaphore_mem>>, %arg18: memref<!tpu.dma_semaphore, #tpu.memory_space<semaphore_mem>>, %arg19: memref<!tpu.dma_semaphore, #tpu.memory_space<semaphore_mem>>, %arg20: memref<!tpu.dma_semaphore, #tpu.memory_space<semaphore_mem>>, %arg21: memref<!tpu.dma_semaphore, #tpu.memory_space<semaphore_mem>>, %arg22: memref<!tpu.dma_semaphore, #tpu.memory_space<semaphore_mem>>) attributes {dimension_semantics = [#tpu.dimension_semantics<core_parallel>, #tpu.dimension_semantics<subcore_parallel>], iteration_bounds = array<i64: 2, 16>, scalar_prefetch = 0 : i64, scratch_operands = 17 : i64, tpu.core_type = #tpu.core_type<sc_vector_subcore>, window_params = [{transform_indices = #map}, {transform_indices = #map1}, {transform_indices = #map2}, {transform_indices = #map2}]} {
    %scan3A = arith.constant 0 : i32
    %scan3A_0 = arith.constant 0 : i32
    %scan3A_1 = arith.constant 80 : i32
    %scan3A_2 = arith.addi %scan3A_0, %scan3A_1 : i32
    %scan3A_3 = arith.constant 1 : i32
    %scan3A_4 = scf.for %scan3A_128 = %scan3A_0 to %scan3A_2 step %scan3A_3 iter_args(%scan3A_129 = %scan3A) -> (i32)  : i32 {
      %broadcast_in_dim3A = arith.constant 0.000000e+00 : f32
      %broadcast_in_dim3A_130 = vector.broadcast %broadcast_in_dim3A : f32 to vector<16xf32>
      %swap3A = arith.index_cast %scan3A_128 : i32 to index
      %swap3A_131 = arith.constant 0 : index
      %swap3A_132 = tpu.vector_load %arg7[%swap3A, %swap3A_131] {strides = array<i32>} : memref<80x128xf32, #tpu.memory_space<vmem>>, vector<1x16xf32>,
      %swap3A_133 = vector.shape_cast %swap3A_132 : vector<1x16xf32> to vector<16xf32>
      %swap3A_134 = vector.shape_cast %broadcast_in_dim3A_130 : vector<16xf32> to vector<1x16xf32>
      tpu.vector_store %arg7[%swap3A, %swap3A_131], %swap3A_134 {strides = array<i32>} : memref<80x128xf32, #tpu.memory_space<vmem>>, vector<1x16xf32>,
      %broadcast_in_dim3A_135 = arith.constant 0.000000e+00 : f32
      %broadcast_in_dim3A_136 = vector.broadcast %broadcast_in_dim3A_135 : f32 to vector<16xf32>
      %swap3A_137 = arith.index_cast %scan3A_128 : i32 to index
      %swap3A_138 = arith.constant 16 : index
      %swap3A_139 = tpu.vector_load %arg7[%swap3A_137, %swap3A_138] {strides = array<i32>} : memref<80x128xf32, #tpu.memory_space<vmem>>, vector<1x16xf32>,
      %swap3A_140 = vector.shape_cast %swap3A_139 : vector<1x16xf32> to vector<16xf32>
      %swap3A_141 = vector.shape_cast %broadcast_in_dim3A_136 : vector<16xf32> to vector<1x16xf32>
      tpu.vector_store %arg7[%swap3A_137, %swap3A_138], %swap3A_141 {strides = array<i32>} : memref<80x128xf32, #tpu.memory_space<vmem>>, vector<1x16xf32>,
      %broadcast_in_dim3A_142 = arith.constant 0.000000e+00 : f32
      %broadcast_in_dim3A_143 = vector.broadcast %broadcast_in_dim3A_142 : f32 to vector<16xf32>
      %swap3A_144 = arith.index_cast %scan3A_128 : i32 to index
      %swap3A_145 = arith.constant 32 : index
      %swap3A_146 = tpu.vector_load %arg7[%swap3A_144, %swap3A_145] {strides = array<i32>} : memref<80x128xf32, #tpu.memory_space<vmem>>, vector<1x16xf32>,
      %swap3A_147 = vector.shape_cast %swap3A_146 : vector<1x16xf32> to vector<16xf32>
      %swap3A_148 = vector.shape_cast %broadcast_in_dim3A_143 : vector<16xf32> to vector<1x16xf32>
      tpu.vector_store %arg7[%swap3A_144, %swap3A_145], %swap3A_148 {strides = array<i32>} : memref<80x128xf32, #tpu.memory_space<vmem>>, vector<1x16xf32>,
      %broadcast_in_dim3A_149 = arith.constant 0.000000e+00 : f32
      %broadcast_in_dim3A_150 = vector.broadcast %broadcast_in_dim3A_149 : f32 to vector<16xf32>
      %swap3A_151 = arith.index_cast %scan3A_128 : i32 to index
      %swap3A_152 = arith.constant 48 : index
      %swap3A_153 = tpu.vector_load %arg7[%swap3A_151, %swap3A_152] {strides = array<i32>} : memref<80x128xf32, #tpu.memory_space<vmem>>, vector<1x16xf32>,
      %swap3A_154 = vector.shape_cast %swap3A_153 : vector<1x16xf32> to vector<16xf32>
      %swap3A_155 = vector.shape_cast %broadcast_in_dim3A_150 : vector<16xf32> to vector<1x16xf32>
      tpu.vector_store %arg7[%swap3A_151, %swap3A_152], %swap3A_155 {strides = array<i32>} : memref<80x128xf32, #tpu.memory_space<vmem>>, vector<1x16xf32>,
      %broadcast_in_dim3A_156 = arith.constant 0.000000e+00 : f32
      %broadcast_in_dim3A_157 = vector.broadcast %broadcast_in_dim3A_156 : f32 to vector<16xf32>
      %swap3A_158 = arith.index_cast %scan3A_128 : i32 to index
      %swap3A_159 = arith.constant 64 : index
      %swap3A_160 = tpu.vector_load %arg7[%swap3A_158, %swap3A_159] {strides = array<i32>} : memref<80x128xf32, #tpu.memory_space<vmem>>, vector<1x16xf32>,
      %swap3A_161 = vector.shape_cast %swap3A_160 : vector<1x16xf32> to vector<16xf32>
      %swap3A_162 = vector.shape_cast %broadcast_in_dim3A_157 : vector<16xf32> to vector<1x16xf32>
      tpu.vector_store %arg7[%swap3A_158, %swap3A_159], %swap3A_162 {strides = array<i32>} : memref<80x128xf32, #tpu.memory_space<vmem>>, vector<1x16xf32>,
      %broadcast_in_dim3A_163 = arith.constant 0.000000e+00 : f32
      %broadcast_in_dim3A_164 = vector.broadcast %broadcast_in_dim3A_163 : f32 to vector<16xf32>
      %swap3A_165 = arith.index_cast %scan3A_128 : i32 to index
      %swap3A_166 = arith.constant 80 : index
      %swap3A_167 = tpu.vector_load %arg7[%swap3A_165, %swap3A_166] {strides = array<i32>} : memref<80x128xf32, #tpu.memory_space<vmem>>, vector<1x16xf32>,
      %swap3A_168 = vector.shape_cast %swap3A_167 : vector<1x16xf32> to vector<16xf32>
      %swap3A_169 = vector.shape_cast %broadcast_in_dim3A_164 : vector<16xf32> to vector<1x16xf32>
      tpu.vector_store %arg7[%swap3A_165, %swap3A_166], %swap3A_169 {strides = array<i32>} : memref<80x128xf32, #tpu.memory_space<vmem>>, vector<1x16xf32>,
      %broadcast_in_dim3A_170 = arith.constant 0.000000e+00 : f32
      %broadcast_in_dim3A_171 = vector.broadcast %broadcast_in_dim3A_170 : f32 to vector<16xf32>
      %swap3A_172 = arith.index_cast %scan3A_128 : i32 to index
      %swap3A_173 = arith.constant 96 : index
      %swap3A_174 = tpu.vector_load %arg7[%swap3A_172, %swap3A_173] {strides = array<i32>} : memref<80x128xf32, #tpu.memory_space<vmem>>, vector<1x16xf32>,
      %swap3A_175 = vector.shape_cast %swap3A_174 : vector<1x16xf32> to vector<16xf32>
      %swap3A_176 = vector.shape_cast %broadcast_in_dim3A_171 : vector<16xf32> to vector<1x16xf32>
      tpu.vector_store %arg7[%swap3A_172, %swap3A_173], %swap3A_176 {strides = array<i32>} : memref<80x128xf32, #tpu.memory_space<vmem>>, vector<1x16xf32>,
      %broadcast_in_dim3A_177 = arith.constant 0.000000e+00 : f32
      %broadcast_in_dim3A_178 = vector.broadcast %broadcast_in_dim3A_177 : f32 to vector<16xf32>
      %swap3A_179 = arith.index_cast %scan3A_128 : i32 to index
      %swap3A_180 = arith.constant 112 : index
      %swap3A_181 = tpu.vector_load %arg7[%swap3A_179, %swap3A_180] {strides = array<i32>} : memref<80x128xf32, #tpu.memory_space<vmem>>, vector<1x16xf32>,
      %swap3A_182 = vector.shape_cast %swap3A_181 : vector<1x16xf32> to vector<16xf32>
      %swap3A_183 = vector.shape_cast %broadcast_in_dim3A_178 : vector<16xf32> to vector<1x16xf32>
      tpu.vector_store %arg7[%swap3A_179, %swap3A_180], %swap3A_183 {strides = array<i32>} : memref<80x128xf32, #tpu.memory_space<vmem>>, vector<1x16xf32>,
      %scan3A_184 = arith.constant 0 : i32
      scf.yield %scan3A_184 : i32
    }
    %scan3A_5 = arith.constant 80 : i32
    %mul3A = arith.constant 640 : i32
    %mul3A_6 = arith.muli %arg1, %mul3A : i32
    %add3A = arith.constant 0 : i32
    %add3A_7 = arith.addi %mul3A_6, %add3A : i32
    "tpu.region"() ({
      %run_scoped3A = tpu.sem_alloc : memref<!tpu.dma_semaphore, #tpu.memory_space<semaphore_mem>>
      %dma_start3A_128 = arith.constant 0 : i32
      %dma_start3A_129 = tpu.memref_slice %arg13[%add3A_7, %dma_start3A_128] : memref<10240x128xf32, #tpu.memory_space<vmem_shared>> -> memref<80x128xf32, #tpu.memory_space<vmem_shared>>
      %dma_start3A_130 = arith.constant 0 : i32
      %dma_start3A_131 = tpu.memref_slice %arg13[%add3A_7, %dma_start3A_130] : memref<10240x128xf32, #tpu.memory_space<vmem_shared>> -> memref<80x128xf32, #tpu.memory_space<vmem_shared>>
      tpu.enqueue_dma source(%arg7 : memref<80x128xf32, #tpu.memory_space<vmem>>) target(%dma_start3A_131 : memref<80x128xf32, #tpu.memory_space<vmem_shared>>) target_semaphore(%run_scoped3A : memref<!tpu.dma_semaphore, #tpu.memory_space<semaphore_mem>>)
      %dma_wait3A_132 = arith.constant 0 : i32
      %dma_wait3A_133 = tpu.memref_slice %arg13[%add3A_7, %dma_wait3A_132] : memref<10240x128xf32, #tpu.memory_space<vmem_shared>> -> memref<80x128xf32, #tpu.memory_space<vmem_shared>>
      %dma_wait3A_134 = arith.constant 0 : i32
      %dma_wait3A_135 = tpu.memref_slice %arg13[%add3A_7, %dma_wait3A_134] : memref<10240x128xf32, #tpu.memory_space<vmem_shared>> -> memref<80x128xf32, #tpu.memory_space<vmem_shared>>
      tpu.wait_dma2 semaphore(%run_scoped3A : memref<!tpu.dma_semaphore, #tpu.memory_space<semaphore_mem>>) src(%arg7 : memref<80x128xf32, #tpu.memory_space<vmem>>) dst(%dma_wait3A_135 : memref<80x128xf32, #tpu.memory_space<vmem_shared>>)
      tpu.yield
    }) : () -> ()
    %mul3A_8 = arith.constant 640 : i32
    %mul3A_9 = arith.muli %arg1, %mul3A_8 : i32
    %add3A_10 = arith.constant 80 : i32
    %add3A_11 = arith.addi %mul3A_9, %add3A_10 : i32
    "tpu.region"() ({
      %run_scoped3A = tpu.sem_alloc : memref<!tpu.dma_semaphore, #tpu.memory_space<semaphore_mem>>
      %dma_start3A_128 = arith.constant 0 : i32
      %dma_start3A_129 = tpu.memref_slice %arg13[%add3A_11, %dma_start3A_128] : memref<10240x128xf32, #tpu.memory_space<vmem_shared>> -> memref<80x128xf32, #tpu.memory_space<vmem_shared>>
      %dma_start3A_130 = arith.constant 0 : i32
      %dma_start3A_131 = tpu.memref_slice %arg13[%add3A_11, %dma_start3A_130] : memref<10240x128xf32, #tpu.memory_space<vmem_shared>> -> memref<80x128xf32, #tpu.memory_space<vmem_shared>>
      tpu.enqueue_dma source(%arg7 : memref<80x128xf32, #tpu.memory_space<vmem>>) target(%dma_start3A_131 : memref<80x128xf32, #tpu.memory_space<vmem_shared>>) target_semaphore(%run_scoped3A : memref<!tpu.dma_semaphore, #tpu.memory_space<semaphore_mem>>)
      %dma_wait3A_132 = arith.constant 0 : i32
      %dma_wait3A_133 = tpu.memref_slice %arg13[%add3A_11, %dma_wait3A_132] : memref<10240x128xf32, #tpu.memory_space<vmem_shared>> -> memref<80x128xf32, #tpu.memory_space<vmem_shared>>
      %dma_wait3A_134 = arith.constant 0 : i32
      %dma_wait3A_135 = tpu.memref_slice %arg13[%add3A_11, %dma_wait3A_134] : memref<10240x128xf32, #tpu.memory_space<vmem_shared>> -> memref<80x128xf32, #tpu.memory_space<vmem_shared>>
      tpu.wait_dma2 semaphore(%run_scoped3A : memref<!tpu.dma_semaphore, #tpu.memory_space<semaphore_mem>>) src(%arg7 : memref<80x128xf32, #tpu.memory_space<vmem>>) dst(%dma_wait3A_135 : memref<80x128xf32, #tpu.memory_space<vmem_shared>>)
      tpu.yield
    }) : () -> ()
    %mul3A_12 = arith.constant 640 : i32
    %mul3A_13 = arith.muli %arg1, %mul3A_12 : i32
    %add3A_14 = arith.constant 160 : i32
    %add3A_15 = arith.addi %mul3A_13, %add3A_14 : i32
    "tpu.region"() ({
      %run_scoped3A = tpu.sem_alloc : memref<!tpu.dma_semaphore, #tpu.memory_space<semaphore_mem>>
      %dma_start3A_128 = arith.constant 0 : i32
      %dma_start3A_129 = tpu.memref_slice %arg13[%add3A_15, %dma_start3A_128] : memref<10240x128xf32, #tpu.memory_space<vmem_shared>> -> memref<80x128xf32, #tpu.memory_space<vmem_shared>>
      %dma_start3A_130 = arith.constant 0 : i32
      %dma_start3A_131 = tpu.memref_slice %arg13[%add3A_15, %dma_start3A_130] : memref<10240x128xf32, #tpu.memory_space<vmem_shared>> -> memref<80x128xf32, #tpu.memory_space<vmem_shared>>
      tpu.enqueue_dma source(%arg7 : memref<80x128xf32, #tpu.memory_space<vmem>>) target(%dma_start3A_131 : memref<80x128xf32, #tpu.memory_space<vmem_shared>>) target_semaphore(%run_scoped3A : memref<!tpu.dma_semaphore, #tpu.memory_space<semaphore_mem>>)
      %dma_wait3A_132 = arith.constant 0 : i32
      %dma_wait3A_133 = tpu.memref_slice %arg13[%add3A_15, %dma_wait3A_132] : memref<10240x128xf32, #tpu.memory_space<vmem_shared>> -> memref<80x128xf32, #tpu.memory_space<vmem_shared>>
      %dma_wait3A_134 = arith.constant 0 : i32
      %dma_wait3A_135 = tpu.memref_slice %arg13[%add3A_15, %dma_wait3A_134] : memref<10240x128xf32, #tpu.memory_space<vmem_shared>> -> memref<80x128xf32, #tpu.memory_space<vmem_shared>>
      tpu.wait_dma2 semaphore(%run_scoped3A : memref<!tpu.dma_semaphore, #tpu.memory_space<semaphore_mem>>) src(%arg7 : memref<80x128xf32, #tpu.memory_space<vmem>>) dst(%dma_wait3A_135 : memref<80x128xf32, #tpu.memory_space<vmem_shared>>)
      tpu.yield
    }) : () -> ()
    %mul3A_16 = arith.constant 640 : i32
    %mul3A_17 = arith.muli %arg1, %mul3A_16 : i32
    %add3A_18 = arith.constant 240 : i32
    %add3A_19 = arith.addi %mul3A_17, %add3A_18 : i32
    "tpu.region"() ({
      %run_scoped3A = tpu.sem_alloc : memref<!tpu.dma_semaphore, #tpu.memory_space<semaphore_mem>>
      %dma_start3A_128 = arith.constant 0 : i32
      %dma_start3A_129 = tpu.memref_slice %arg13[%add3A_19, %dma_start3A_128] : memref<10240x128xf32, #tpu.memory_space<vmem_shared>> -> memref<80x128xf32, #tpu.memory_space<vmem_shared>>
      %dma_start3A_130 = arith.constant 0 : i32
      %dma_start3A_131 = tpu.memref_slice %arg13[%add3A_19, %dma_start3A_130] : memref<10240x128xf32, #tpu.memory_space<vmem_shared>> -> memref<80x128xf32, #tpu.memory_space<vmem_shared>>
      tpu.enqueue_dma source(%arg7 : memref<80x128xf32, #tpu.memory_space<vmem>>) target(%dma_start3A_131 : memref<80x128xf32, #tpu.memory_space<vmem_shared>>) target_semaphore(%run_scoped3A : memref<!tpu.dma_semaphore, #tpu.memory_space<semaphore_mem>>)
      %dma_wait3A_132 = arith.constant 0 : i32
      %dma_wait3A_133 = tpu.memref_slice %arg13[%add3A_19, %dma_wait3A_132] : memref<10240x128xf32, #tpu.memory_space<vmem_shared>> -> memref<80x128xf32, #tpu.memory_space<vmem_shared>>
      %dma_wait3A_134 = arith.constant 0 : i32
      %dma_wait3A_135 = tpu.memref_slice %arg13[%add3A_19, %dma_wait3A_134] : memref<10240x128xf32, #tpu.memory_space<vmem_shared>> -> memref<80x128xf32, #tpu.memory_space<vmem_shared>>
      tpu.wait_dma2 semaphore(%run_scoped3A : memref<!tpu.dma_semaphore, #tpu.memory_space<semaphore_mem>>) src(%arg7 : memref<80x128xf32, #tpu.memory_space<vmem>>) dst(%dma_wait3A_135 : memref<80x128xf32, #tpu.memory_space<vmem_shared>>)
      tpu.yield
    }) : () -> ()
    %mul3A_20 = arith.constant 640 : i32
    %mul3A_21 = arith.muli %arg1, %mul3A_20 : i32
    %add3A_22 = arith.constant 320 : i32
    %add3A_23 = arith.addi %mul3A_21, %add3A_22 : i32
    "tpu.region"() ({
      %run_scoped3A = tpu.sem_alloc : memref<!tpu.dma_semaphore, #tpu.memory_space<semaphore_mem>>
      %dma_start3A_128 = arith.constant 0 : i32
      %dma_start3A_129 = tpu.memref_slice %arg13[%add3A_23, %dma_start3A_128] : memref<10240x128xf32, #tpu.memory_space<vmem_shared>> -> memref<80x128xf32, #tpu.memory_space<vmem_shared>>
      %dma_start3A_130 = arith.constant 0 : i32
      %dma_start3A_131 = tpu.memref_slice %arg13[%add3A_23, %dma_start3A_130] : memref<10240x128xf32, #tpu.memory_space<vmem_shared>> -> memref<80x128xf32, #tpu.memory_space<vmem_shared>>
      tpu.enqueue_dma source(%arg7 : memref<80x128xf32, #tpu.memory_space<vmem>>) target(%dma_start3A_131 : memref<80x128xf32, #tpu.memory_space<vmem_shared>>) target_semaphore(%run_scoped3A : memref<!tpu.dma_semaphore, #tpu.memory_space<semaphore_mem>>)
      %dma_wait3A_132 = arith.constant 0 : i32
      %dma_wait3A_133 = tpu.memref_slice %arg13[%add3A_23, %dma_wait3A_132] : memref<10240x128xf32, #tpu.memory_space<vmem_shared>> -> memref<80x128xf32, #tpu.memory_space<vmem_shared>>
      %dma_wait3A_134 = arith.constant 0 : i32
      %dma_wait3A_135 = tpu.memref_slice %arg13[%add3A_23, %dma_wait3A_134] : memref<10240x128xf32, #tpu.memory_space<vmem_shared>> -> memref<80x128xf32, #tpu.memory_space<vmem_shared>>
      tpu.wait_dma2 semaphore(%run_scoped3A : memref<!tpu.dma_semaphore, #tpu.memory_space<semaphore_mem>>) src(%arg7 : memref<80x128xf32, #tpu.memory_space<vmem>>) dst(%dma_wait3A_135 : memref<80x128xf32, #tpu.memory_space<vmem_shared>>)
      tpu.yield
    }) : () -> ()
    %mul3A_24 = arith.constant 640 : i32
    %mul3A_25 = arith.muli %arg1, %mul3A_24 : i32
    %add3A_26 = arith.constant 400 : i32
    %add3A_27 = arith.addi %mul3A_25, %add3A_26 : i32
    "tpu.region"() ({
      %run_scoped3A = tpu.sem_alloc : memref<!tpu.dma_semaphore, #tpu.memory_space<semaphore_mem>>
      %dma_start3A_128 = arith.constant 0 : i32
      %dma_start3A_129 = tpu.memref_slice %arg13[%add3A_27, %dma_start3A_128] : memref<10240x128xf32, #tpu.memory_space<vmem_shared>> -> memref<80x128xf32, #tpu.memory_space<vmem_shared>>
      %dma_start3A_130 = arith.constant 0 : i32
      %dma_start3A_131 = tpu.memref_slice %arg13[%add3A_27, %dma_start3A_130] : memref<10240x128xf32, #tpu.memory_space<vmem_shared>> -> memref<80x128xf32, #tpu.memory_space<vmem_shared>>
      tpu.enqueue_dma source(%arg7 : memref<80x128xf32, #tpu.memory_space<vmem>>) target(%dma_start3A_131 : memref<80x128xf32, #tpu.memory_space<vmem_shared>>) target_semaphore(%run_scoped3A : memref<!tpu.dma_semaphore, #tpu.memory_space<semaphore_mem>>)
      %dma_wait3A_132 = arith.constant 0 : i32
      %dma_wait3A_133 = tpu.memref_slice %arg13[%add3A_27, %dma_wait3A_132] : memref<10240x128xf32, #tpu.memory_space<vmem_shared>> -> memref<80x128xf32, #tpu.memory_space<vmem_shared>>
      %dma_wait3A_134 = arith.constant 0 : i32
      %dma_wait3A_135 = tpu.memref_slice %arg13[%add3A_27, %dma_wait3A_134] : memref<10240x128xf32, #tpu.memory_space<vmem_shared>> -> memref<80x128xf32, #tpu.memory_space<vmem_shared>>
      tpu.wait_dma2 semaphore(%run_scoped3A : memref<!tpu.dma_semaphore, #tpu.memory_space<semaphore_mem>>) src(%arg7 : memref<80x128xf32, #tpu.memory_space<vmem>>) dst(%dma_wait3A_135 : memref<80x128xf32, #tpu.memory_space<vmem_shared>>)
      tpu.yield
    }) : () -> ()
    %mul3A_28 = arith.constant 640 : i32
    %mul3A_29 = arith.muli %arg1, %mul3A_28 : i32
    %add3A_30 = arith.constant 480 : i32
    %add3A_31 = arith.addi %mul3A_29, %add3A_30 : i32
    "tpu.region"() ({
      %run_scoped3A = tpu.sem_alloc : memref<!tpu.dma_semaphore, #tpu.memory_space<semaphore_mem>>
      %dma_start3A_128 = arith.constant 0 : i32
      %dma_start3A_129 = tpu.memref_slice %arg13[%add3A_31, %dma_start3A_128] : memref<10240x128xf32, #tpu.memory_space<vmem_shared>> -> memref<80x128xf32, #tpu.memory_space<vmem_shared>>
      %dma_start3A_130 = arith.constant 0 : i32
      %dma_start3A_131 = tpu.memref_slice %arg13[%add3A_31, %dma_start3A_130] : memref<10240x128xf32, #tpu.memory_space<vmem_shared>> -> memref<80x128xf32, #tpu.memory_space<vmem_shared>>
      tpu.enqueue_dma source(%arg7 : memref<80x128xf32, #tpu.memory_space<vmem>>) target(%dma_start3A_131 : memref<80x128xf32, #tpu.memory_space<vmem_shared>>) target_semaphore(%run_scoped3A : memref<!tpu.dma_semaphore, #tpu.memory_space<semaphore_mem>>)
      %dma_wait3A_132 = arith.constant 0 : i32
      %dma_wait3A_133 = tpu.memref_slice %arg13[%add3A_31, %dma_wait3A_132] : memref<10240x128xf32, #tpu.memory_space<vmem_shared>> -> memref<80x128xf32, #tpu.memory_space<vmem_shared>>
      %dma_wait3A_134 = arith.constant 0 : i32
      %dma_wait3A_135 = tpu.memref_slice %arg13[%add3A_31, %dma_wait3A_134] : memref<10240x128xf32, #tpu.memory_space<vmem_shared>> -> memref<80x128xf32, #tpu.memory_space<vmem_shared>>
      tpu.wait_dma2 semaphore(%run_scoped3A : memref<!tpu.dma_semaphore, #tpu.memory_space<semaphore_mem>>) src(%arg7 : memref<80x128xf32, #tpu.memory_space<vmem>>) dst(%dma_wait3A_135 : memref<80x128xf32, #tpu.memory_space<vmem_shared>>)
      tpu.yield
    }) : () -> ()
    %mul3A_32 = arith.constant 640 : i32
    %mul3A_33 = arith.muli %arg1, %mul3A_32 : i32
    %add3A_34 = arith.constant 560 : i32
    %add3A_35 = arith.addi %mul3A_33, %add3A_34 : i32
    "tpu.region"() ({
      %run_scoped3A = tpu.sem_alloc : memref<!tpu.dma_semaphore, #tpu.memory_space<semaphore_mem>>
      %dma_start3A_128 = arith.constant 0 : i32
      %dma_start3A_129 = tpu.memref_slice %arg13[%add3A_35, %dma_start3A_128] : memref<10240x128xf32, #tpu.memory_space<vmem_shared>> -> memref<80x128xf32, #tpu.memory_space<vmem_shared>>
      %dma_start3A_130 = arith.constant 0 : i32
      %dma_start3A_131 = tpu.memref_slice %arg13[%add3A_35, %dma_start3A_130] : memref<10240x128xf32, #tpu.memory_space<vmem_shared>> -> memref<80x128xf32, #tpu.memory_space<vmem_shared>>
      tpu.enqueue_dma source(%arg7 : memref<80x128xf32, #tpu.memory_space<vmem>>) target(%dma_start3A_131 : memref<80x128xf32, #tpu.memory_space<vmem_shared>>) target_semaphore(%run_scoped3A : memref<!tpu.dma_semaphore, #tpu.memory_space<semaphore_mem>>)
      %dma_wait3A_132 = arith.constant 0 : i32
      %dma_wait3A_133 = tpu.memref_slice %arg13[%add3A_35, %dma_wait3A_132] : memref<10240x128xf32, #tpu.memory_space<vmem_shared>> -> memref<80x128xf32, #tpu.memory_space<vmem_shared>>
      %dma_wait3A_134 = arith.constant 0 : i32
      %dma_wait3A_135 = tpu.memref_slice %arg13[%add3A_35, %dma_wait3A_134] : memref<10240x128xf32, #tpu.memory_space<vmem_shared>> -> memref<80x128xf32, #tpu.memory_space<vmem_shared>>
      tpu.wait_dma2 semaphore(%run_scoped3A : memref<!tpu.dma_semaphore, #tpu.memory_space<semaphore_mem>>) src(%arg7 : memref<80x128xf32, #tpu.memory_space<vmem>>) dst(%dma_wait3A_135 : memref<80x128xf32, #tpu.memory_space<vmem_shared>>)
      tpu.yield
    }) : () -> ()
    "tpu.region"() ({
      %run_scoped3A = tpu.sem_alloc : memref<!tpu.dma_semaphore, #tpu.memory_space<semaphore_mem>>
      %dma_start3A_128 = arith.constant 0 : i32
      %dma_start3A_129 = arith.constant 0 : i32
      %dma_start3A_130 = tpu.memref_slice %arg4[%arg1, %dma_start3A_128, %dma_start3A_129] : memref<16x125x80xi32, #tpu.memory_space<hbm>> -> memref<1x125x80xi32, #tpu.memory_space<hbm>>
      %dma_start3A_131 = tpu.memref_squeeze %dma_start3A_130 : memref<1x125x80xi32, #tpu.memory_space<hbm>> -> memref<125x80xi32, #tpu.memory_space<hbm>>
      %dma_start3A_132 = arith.constant 0 : i32
      %dma_start3A_133 = arith.constant 0 : i32
      %dma_start3A_134 = tpu.memref_slice %arg4[%arg1, %dma_start3A_132, %dma_start3A_133] : memref<16x125x80xi32, #tpu.memory_space<hbm>> -> memref<1x125x80xi32, #tpu.memory_space<hbm>>
      %dma_start3A_135 = tpu.memref_squeeze %dma_start3A_134 : memref<1x125x80xi32, #tpu.memory_space<hbm>> -> memref<125x80xi32, #tpu.memory_space<hbm>>
      tpu.enqueue_dma source(%dma_start3A_135 : memref<125x80xi32, #tpu.memory_space<hbm>>) target(%arg6 : memref<125x80xi32, #tpu.memory_space<vmem>>) target_semaphore(%run_scoped3A : memref<!tpu.dma_semaphore, #tpu.memory_space<semaphore_mem>>)
      %dma_wait3A_136 = arith.constant 0 : i32
      %dma_wait3A_137 = arith.constant 0 : i32
      %dma_wait3A_138 = tpu.memref_slice %arg4[%arg1, %dma_wait3A_136, %dma_wait3A_137] : memref<16x125x80xi32, #tpu.memory_space<hbm>> -> memref<1x125x80xi32, #tpu.memory_space<hbm>>
      %dma_wait3A_139 = tpu.memref_squeeze %dma_wait3A_138 : memref<1x125x80xi32, #tpu.memory_space<hbm>> -> memref<125x80xi32, #tpu.memory_space<hbm>>
      %dma_wait3A_140 = arith.constant 0 : i32
      %dma_wait3A_141 = arith.constant 0 : i32
      %dma_wait3A_142 = tpu.memref_slice %arg4[%arg1, %dma_wait3A_140, %dma_wait3A_141] : memref<16x125x80xi32, #tpu.memory_space<hbm>> -> memref<1x125x80xi32, #tpu.memory_space<hbm>>
      %dma_wait3A_143 = tpu.memref_squeeze %dma_wait3A_142 : memref<1x125x80xi32, #tpu.memory_space<hbm>> -> memref<125x80xi32, #tpu.memory_space<hbm>>
      tpu.wait_dma2 semaphore(%run_scoped3A : memref<!tpu.dma_semaphore, #tpu.memory_space<semaphore_mem>>) src(%dma_wait3A_143 : memref<125x80xi32, #tpu.memory_space<hbm>>) dst(%arg6 : memref<125x80xi32, #tpu.memory_space<vmem>>)
      tpu.yield
    }) : () -> ()
    %barrier3A = arith.constant 0 : index
    tpu.barrier barrier_id(%barrier3A)
    %dma_start3A = arith.constant 0 : i32
    %dma_start3A_36 = arith.constant 0 : i32
    %dma_start3A_37 = tpu.memref_slice %arg3[%arg0, %arg1, %dma_start3A, %dma_start3A_36] : memref<2x16x125x80xi32, #tpu.memory_space<hbm>> -> memref<1x1x1x80xi32, #tpu.memory_space<hbm>>
    %dma_start3A_38 = tpu.memref_squeeze %dma_start3A_37 : memref<1x1x1x80xi32, #tpu.memory_space<hbm>> -> memref<80xi32, #tpu.memory_space<hbm>>
    %dma_start3A_39 = arith.constant 0 : i32
    %dma_start3A_40 = tpu.memref_slice %arg3[%arg0, %arg1, %dma_start3A, %dma_start3A_39] : memref<2x16x125x80xi32, #tpu.memory_space<hbm>> -> memref<1x1x1x80xi32, #tpu.memory_space<hbm>>
    %dma_start3A_41 = tpu.memref_squeeze %dma_start3A_40 : memref<1x1x1x80xi32, #tpu.memory_space<hbm>> -> memref<80xi32, #tpu.memory_space<hbm>>
    tpu.enqueue_dma source(%dma_start3A_41 : memref<80xi32, #tpu.memory_space<hbm>>) target(%arg10 : memref<80xi32, #tpu.memory_space<vmem>>) target_semaphore(%arg20 : memref<!tpu.dma_semaphore, #tpu.memory_space<semaphore_mem>>)
    %dma_start3A_42 = arith.constant 1 : i32
    %dma_start3A_43 = arith.constant 0 : i32
    %dma_start3A_44 = tpu.memref_slice %arg3[%arg0, %arg1, %dma_start3A_42, %dma_start3A_43] : memref<2x16x125x80xi32, #tpu.memory_space<hbm>> -> memref<1x1x1x80xi32, #tpu.memory_space<hbm>>
    %dma_start3A_45 = tpu.memref_squeeze %dma_start3A_44 : memref<1x1x1x80xi32, #tpu.memory_space<hbm>> -> memref<80xi32, #tpu.memory_space<hbm>>
    %dma_start3A_46 = arith.constant 0 : i32
    %dma_start3A_47 = tpu.memref_slice %arg3[%arg0, %arg1, %dma_start3A_42, %dma_start3A_46] : memref<2x16x125x80xi32, #tpu.memory_space<hbm>> -> memref<1x1x1x80xi32, #tpu.memory_space<hbm>>
    %dma_start3A_48 = tpu.memref_squeeze %dma_start3A_47 : memref<1x1x1x80xi32, #tpu.memory_space<hbm>> -> memref<80xi32, #tpu.memory_space<hbm>>
    tpu.enqueue_dma source(%dma_start3A_48 : memref<80xi32, #tpu.memory_space<hbm>>) target(%arg11 : memref<80xi32, #tpu.memory_space<vmem>>) target_semaphore(%arg21 : memref<!tpu.dma_semaphore, #tpu.memory_space<semaphore_mem>>)
    %dma_start3A_49 = arith.constant 2 : i32
    %dma_start3A_50 = arith.constant 0 : i32
    %dma_start3A_51 = tpu.memref_slice %arg3[%arg0, %arg1, %dma_start3A_49, %dma_start3A_50] : memref<2x16x125x80xi32, #tpu.memory_space<hbm>> -> memref<1x1x1x80xi32, #tpu.memory_space<hbm>>
    %dma_start3A_52 = tpu.memref_squeeze %dma_start3A_51 : memref<1x1x1x80xi32, #tpu.memory_space<hbm>> -> memref<80xi32, #tpu.memory_space<hbm>>
    %dma_start3A_53 = arith.constant 0 : i32
    %dma_start3A_54 = tpu.memref_slice %arg3[%arg0, %arg1, %dma_start3A_49, %dma_start3A_53] : memref<2x16x125x80xi32, #tpu.memory_space<hbm>> -> memref<1x1x1x80xi32, #tpu.memory_space<hbm>>
    %dma_start3A_55 = tpu.memref_squeeze %dma_start3A_54 : memref<1x1x1x80xi32, #tpu.memory_space<hbm>> -> memref<80xi32, #tpu.memory_space<hbm>>
    tpu.enqueue_dma source(%dma_start3A_55 : memref<80xi32, #tpu.memory_space<hbm>>) target(%arg12 : memref<80xi32, #tpu.memory_space<vmem>>) target_semaphore(%arg22 : memref<!tpu.dma_semaphore, #tpu.memory_space<semaphore_mem>>)
    %dma_wait3A = arith.constant 0 : i32
    %dma_wait3A_56 = arith.constant 0 : i32
    %dma_wait3A_57 = tpu.memref_slice %arg3[%arg0, %arg1, %dma_wait3A, %dma_wait3A_56] : memref<2x16x125x80xi32, #tpu.memory_space<hbm>> -> memref<1x1x1x80xi32, #tpu.memory_space<hbm>>
    %dma_wait3A_58 = tpu.memref_squeeze %dma_wait3A_57 : memref<1x1x1x80xi32, #tpu.memory_space<hbm>> -> memref<80xi32, #tpu.memory_space<hbm>>
    %dma_wait3A_59 = arith.constant 0 : i32
    %dma_wait3A_60 = tpu.memref_slice %arg3[%arg0, %arg1, %dma_wait3A, %dma_wait3A_59] : memref<2x16x125x80xi32, #tpu.memory_space<hbm>> -> memref<1x1x1x80xi32, #tpu.memory_space<hbm>>
    %dma_wait3A_61 = tpu.memref_squeeze %dma_wait3A_60 : memref<1x1x1x80xi32, #tpu.memory_space<hbm>> -> memref<80xi32, #tpu.memory_space<hbm>>
    tpu.wait_dma2 semaphore(%arg20 : memref<!tpu.dma_semaphore, #tpu.memory_space<semaphore_mem>>) src(%dma_wait3A_61 : memref<80xi32, #tpu.memory_space<hbm>>) dst(%arg10 : memref<80xi32, #tpu.memory_space<vmem>>)
    %dma_start3A_62 = arith.constant 0 : i32
    %dma_start3A_63 = arith.constant 0 : i32
    %dma_start3A_64 = tpu.memref_slice %arg2[%dma_start3A_62, %dma_start3A_63] : memref<20480x128xf32, #tpu.memory_space<hbm>> -> memref<20480x128xf32, #tpu.memory_space<hbm>>
    tpu.enqueue_indirect_dma source(%dma_start3A_64 : memref<20480x128xf32, #tpu.memory_space<hbm>>) target(%arg7 : memref<80x128xf32, #tpu.memory_space<vmem>>) offsets(%arg10 : memref<80xi32, #tpu.memory_space<vmem>>) semaphore(%arg14 : memref<!tpu.dma_semaphore, #tpu.memory_space<semaphore_mem>>)
    %dma_wait3A_65 = arith.constant 1 : i32
    %dma_wait3A_66 = arith.constant 0 : i32
    %dma_wait3A_67 = tpu.memref_slice %arg3[%arg0, %arg1, %dma_wait3A_65, %dma_wait3A_66] : memref<2x16x125x80xi32, #tpu.memory_space<hbm>> -> memref<1x1x1x80xi32, #tpu.memory_space<hbm>>
    %dma_wait3A_68 = tpu.memref_squeeze %dma_wait3A_67 : memref<1x1x1x80xi32, #tpu.memory_space<hbm>> -> memref<80xi32, #tpu.memory_space<hbm>>
    %dma_wait3A_69 = arith.constant 0 : i32
    %dma_wait3A_70 = tpu.memref_slice %arg3[%arg0, %arg1, %dma_wait3A_65, %dma_wait3A_69] : memref<2x16x125x80xi32, #tpu.memory_space<hbm>> -> memref<1x1x1x80xi32, #tpu.memory_space<hbm>>
    %dma_wait3A_71 = tpu.memref_squeeze %dma_wait3A_70 : memref<1x1x1x80xi32, #tpu.memory_space<hbm>> -> memref<80xi32, #tpu.memory_space<hbm>>
    tpu.wait_dma2 semaphore(%arg21 : memref<!tpu.dma_semaphore, #tpu.memory_space<semaphore_mem>>) src(%dma_wait3A_71 : memref<80xi32, #tpu.memory_space<hbm>>) dst(%arg11 : memref<80xi32, #tpu.memory_space<vmem>>)
    %dma_start3A_72 = arith.constant 0 : i32
    %dma_start3A_73 = arith.constant 0 : i32
    %dma_start3A_74 = tpu.memref_slice %arg2[%dma_start3A_72, %dma_start3A_73] : memref<20480x128xf32, #tpu.memory_space<hbm>> -> memref<20480x128xf32, #tpu.memory_space<hbm>>
    tpu.enqueue_indirect_dma source(%dma_start3A_74 : memref<20480x128xf32, #tpu.memory_space<hbm>>) target(%arg8 : memref<80x128xf32, #tpu.memory_space<vmem>>) offsets(%arg11 : memref<80xi32, #tpu.memory_space<vmem>>) semaphore(%arg15 : memref<!tpu.dma_semaphore, #tpu.memory_space<semaphore_mem>>)
    %scan3A_75 = arith.constant 0 : i32
    %scan3A_76 = arith.constant 0 : i32
    %scan3A_77 = arith.constant 41 : i32
    %scan3A_78 = arith.addi %scan3A_76, %scan3A_77 : i32
    %scan3A_79 = arith.constant 1 : i32
    %scan3A_80 = scf.for %scan3A_128 = %scan3A_76 to %scan3A_78 step %scan3A_79 iter_args(%scan3A_129 = %scan3A_75) -> (i32)  : i32 {
      %mul3A_130 = arith.constant 3 : i32
      %mul3A_131 = arith.muli %mul3A_130, %scan3A_128 : i32
      %dma_wait3A_132 = arith.constant 0 : i32
      %dma_wait3A_133 = arith.constant 0 : i32
      %dma_wait3A_134 = tpu.memref_slice %arg2[%dma_wait3A_132, %dma_wait3A_133] : memref<20480x128xf32, #tpu.memory_space<hbm>> -> memref<20480x128xf32, #tpu.memory_space<hbm>>
      tpu.wait_indirect_dma semaphore(%arg14 : memref<!tpu.dma_semaphore, #tpu.memory_space<semaphore_mem>>) src(%dma_wait3A_134 : memref<20480x128xf32, #tpu.memory_space<hbm>>) dst(%arg7 : memref<80x128xf32, #tpu.memory_space<vmem>>)
      %dma_start3A_135 = arith.constant 0 : i32
      %dma_start3A_136 = tpu.memref_slice %arg6[%mul3A_131, %dma_start3A_135] : memref<125x80xi32, #tpu.memory_space<vmem>> -> memref<1x80xi32, #tpu.memory_space<vmem>>
      %dma_start3A_137 = tpu.memref_squeeze %dma_start3A_136 : memref<1x80xi32, #tpu.memory_space<vmem>> -> memref<80xi32, #tpu.memory_space<vmem>>
      %dma_start3A_138 = arith.constant 0 : i32
      %dma_start3A_139 = arith.constant 0 : i32
      %dma_start3A_140 = tpu.memref_slice %arg13[%dma_start3A_138, %dma_start3A_139] : memref<10240x128xf32, #tpu.memory_space<vmem_shared>> -> memref<10240x128xf32, #tpu.memory_space<vmem_shared>>
      tpu.enqueue_indirect_dma source(%arg7 : memref<80x128xf32, #tpu.memory_space<vmem>>) target(%dma_start3A_140 : memref<10240x128xf32, #tpu.memory_space<vmem_shared>>) offsets(%dma_start3A_137 : memref<80xi32, #tpu.memory_space<vmem>>) semaphore(%arg17 : memref<!tpu.dma_semaphore, #tpu.memory_space<semaphore_mem>>) {add = true}
      %add3A_141 = arith.constant 3 : i32
      %add3A_142 = arith.addi %mul3A_131, %add3A_141 : i32
      %lt3A = arith.constant 125 : i32
      %lt3A_143 = arith.cmpi slt, %add3A_142, %lt3A : i32
      %convert_element_type3A = arith.extui %lt3A_143 : i1 to i32
      %cond3A = arith.constant 0 : i32
      %cond3A_144 = arith.cmpi ne, %convert_element_type3A, %cond3A : i32
      scf.if %cond3A_144 {
        %add3A_203 = arith.constant 3 : i32
        %add3A_204 = arith.addi %mul3A_131, %add3A_203 : i32
        %dma_start3A_205 = arith.constant 0 : i32
        %dma_start3A_206 = tpu.memref_slice %arg3[%arg0, %arg1, %add3A_204, %dma_start3A_205] : memref<2x16x125x80xi32, #tpu.memory_space<hbm>> -> memref<1x1x1x80xi32, #tpu.memory_space<hbm>>
        %dma_start3A_207 = tpu.memref_squeeze %dma_start3A_206 : memref<1x1x1x80xi32, #tpu.memory_space<hbm>> -> memref<80xi32, #tpu.memory_space<hbm>>
        %dma_start3A_208 = arith.constant 0 : i32
        %dma_start3A_209 = tpu.memref_slice %arg3[%arg0, %arg1, %add3A_204, %dma_start3A_208] : memref<2x16x125x80xi32, #tpu.memory_space<hbm>> -> memref<1x1x1x80xi32, #tpu.memory_space<hbm>>
        %dma_start3A_210 = tpu.memref_squeeze %dma_start3A_209 : memref<1x1x1x80xi32, #tpu.memory_space<hbm>> -> memref<80xi32, #tpu.memory_space<hbm>>
        tpu.enqueue_dma source(%dma_start3A_210 : memref<80xi32, #tpu.memory_space<hbm>>) target(%arg10 : memref<80xi32, #tpu.memory_space<vmem>>) target_semaphore(%arg20 : memref<!tpu.dma_semaphore, #tpu.memory_space<semaphore_mem>>)
      } else {
      }
      %add3A_145 = arith.constant 2 : i32
      %add3A_146 = arith.addi %mul3A_131, %add3A_145 : i32
      %lt3A_147 = arith.constant 125 : i32
      %lt3A_148 = arith.cmpi slt, %add3A_146, %lt3A_147 : i32
      %convert_element_type3A_149 = arith.extui %lt3A_148 : i1 to i32
      %cond3A_150 = arith.constant 0 : i32
      %cond3A_151 = arith.cmpi ne, %convert_element_type3A_149, %cond3A_150 : i32
      scf.if %cond3A_151 {
        %ge3A = arith.constant 1 : i32
        %ge3A_203 = arith.cmpi sge, %mul3A_131, %ge3A : i32
        %convert_element_type3A_204 = arith.extui %ge3A_203 : i1 to i32
        %cond3A_205 = arith.constant 0 : i32
        %cond3A_206 = arith.cmpi ne, %convert_element_type3A_204, %cond3A_205 : i32
        scf.if %cond3A_206 {
          %sub3A = arith.constant 1 : i32
          %sub3A_218 = arith.subi %mul3A_131, %sub3A : i32
          %dma_wait3A_219 = arith.constant 0 : i32
          %dma_wait3A_220 = tpu.memref_slice %arg6[%sub3A_218, %dma_wait3A_219] : memref<125x80xi32, #tpu.memory_space<vmem>> -> memref<1x80xi32, #tpu.memory_space<vmem>>
          %dma_wait3A_221 = tpu.memref_squeeze %dma_wait3A_220 : memref<1x80xi32, #tpu.memory_space<vmem>> -> memref<80xi32, #tpu.memory_space<vmem>>
          %dma_wait3A_222 = arith.constant 0 : i32
          %dma_wait3A_223 = arith.constant 0 : i32
          %dma_wait3A_224 = tpu.memref_slice %arg13[%dma_wait3A_222, %dma_wait3A_223] : memref<10240x128xf32, #tpu.memory_space<vmem_shared>> -> memref<10240x128xf32, #tpu.memory_space<vmem_shared>>
          tpu.wait_indirect_dma semaphore(%arg19 : memref<!tpu.dma_semaphore, #tpu.memory_space<semaphore_mem>>) src(%arg9 : memref<80x128xf32, #tpu.memory_space<vmem>>) dst(%dma_wait3A_224 : memref<10240x128xf32, #tpu.memory_space<vmem_shared>>)
        } else {
        }
        %add3A_207 = arith.constant 2 : i32
        %add3A_208 = arith.addi %mul3A_131, %add3A_207 : i32
        %dma_wait3A_209 = arith.constant 0 : i32
        %dma_wait3A_210 = tpu.memref_slice %arg3[%arg0, %arg1, %add3A_208, %dma_wait3A_209] : memref<2x16x125x80xi32, #tpu.memory_space<hbm>> -> memref<1x1x1x80xi32, #tpu.memory_space<hbm>>
        %dma_wait3A_211 = tpu.memref_squeeze %dma_wait3A_210 : memref<1x1x1x80xi32, #tpu.memory_space<hbm>> -> memref<80xi32, #tpu.memory_space<hbm>>
        %dma_wait3A_212 = arith.constant 0 : i32
        %dma_wait3A_213 = tpu.memref_slice %arg3[%arg0, %arg1, %add3A_208, %dma_wait3A_212] : memref<2x16x125x80xi32, #tpu.memory_space<hbm>> -> memref<1x1x1x80xi32, #tpu.memory_space<hbm>>
        %dma_wait3A_214 = tpu.memref_squeeze %dma_wait3A_213 : memref<1x1x1x80xi32, #tpu.memory_space<hbm>> -> memref<80xi32, #tpu.memory_space<hbm>>
        tpu.wait_dma2 semaphore(%arg22 : memref<!tpu.dma_semaphore, #tpu.memory_space<semaphore_mem>>) src(%dma_wait3A_214 : memref<80xi32, #tpu.memory_space<hbm>>) dst(%arg12 : memref<80xi32, #tpu.memory_space<vmem>>)
        %dma_start3A_215 = arith.constant 0 : i32
        %dma_start3A_216 = arith.constant 0 : i32
        %dma_start3A_217 = tpu.memref_slice %arg2[%dma_start3A_215, %dma_start3A_216] : memref<20480x128xf32, #tpu.memory_space<hbm>> -> memref<20480x128xf32, #tpu.memory_space<hbm>>
        tpu.enqueue_indirect_dma source(%dma_start3A_217 : memref<20480x128xf32, #tpu.memory_space<hbm>>) target(%arg9 : memref<80x128xf32, #tpu.memory_space<vmem>>) offsets(%arg12 : memref<80xi32, #tpu.memory_space<vmem>>) semaphore(%arg16 : memref<!tpu.dma_semaphore, #tpu.memory_space<semaphore_mem>>)
      } else {
      }
      %add3A_152 = arith.constant 1 : i32
      %add3A_153 = arith.addi %mul3A_131, %add3A_152 : i32
      %dma_wait3A_154 = arith.constant 0 : i32
      %dma_wait3A_155 = arith.constant 0 : i32
      %dma_wait3A_156 = tpu.memref_slice %arg2[%dma_wait3A_154, %dma_wait3A_155] : memref<20480x128xf32, #tpu.memory_space<hbm>> -> memref<20480x128xf32, #tpu.memory_space<hbm>>
      tpu.wait_indirect_dma semaphore(%arg15 : memref<!tpu.dma_semaphore, #tpu.memory_space<semaphore_mem>>) src(%dma_wait3A_156 : memref<20480x128xf32, #tpu.memory_space<hbm>>) dst(%arg8 : memref<80x128xf32, #tpu.memory_space<vmem>>)
      %dma_start3A_157 = arith.constant 0 : i32
      %dma_start3A_158 = tpu.memref_slice %arg6[%add3A_153, %dma_start3A_157] : memref<125x80xi32, #tpu.memory_space<vmem>> -> memref<1x80xi32, #tpu.memory_space<vmem>>
      %dma_start3A_159 = tpu.memref_squeeze %dma_start3A_158 : memref<1x80xi32, #tpu.memory_space<vmem>> -> memref<80xi32, #tpu.memory_space<vmem>>
      %dma_start3A_160 = arith.constant 0 : i32
      %dma_start3A_161 = arith.constant 0 : i32
      %dma_start3A_162 = tpu.memref_slice %arg13[%dma_start3A_160, %dma_start3A_161] : memref<10240x128xf32, #tpu.memory_space<vmem_shared>> -> memref<10240x128xf32, #tpu.memory_space<vmem_shared>>
      tpu.enqueue_indirect_dma source(%arg8 : memref<80x128xf32, #tpu.memory_space<vmem>>) target(%dma_start3A_162 : memref<10240x128xf32, #tpu.memory_space<vmem_shared>>) offsets(%dma_start3A_159 : memref<80xi32, #tpu.memory_space<vmem>>) semaphore(%arg18 : memref<!tpu.dma_semaphore, #tpu.memory_space<semaphore_mem>>) {add = true}
      %add3A_163 = arith.constant 3 : i32
      %add3A_164 = arith.addi %add3A_153, %add3A_163 : i32
      %lt3A_165 = arith.constant 125 : i32
      %lt3A_166 = arith.cmpi slt, %add3A_164, %lt3A_165 : i32
      %convert_element_type3A_167 = arith.extui %lt3A_166 : i1 to i32
      %cond3A_168 = arith.constant 0 : i32
      %cond3A_169 = arith.cmpi ne, %convert_element_type3A_167, %cond3A_168 : i32
      scf.if %cond3A_169 {
        %add3A_203 = arith.constant 3 : i32
        %add3A_204 = arith.addi %add3A_153, %add3A_203 : i32
        %dma_start3A_205 = arith.constant 0 : i32
        %dma_start3A_206 = tpu.memref_slice %arg3[%arg0, %arg1, %add3A_204, %dma_start3A_205] : memref<2x16x125x80xi32, #tpu.memory_space<hbm>> -> memref<1x1x1x80xi32, #tpu.memory_space<hbm>>
        %dma_start3A_207 = tpu.memref_squeeze %dma_start3A_206 : memref<1x1x1x80xi32, #tpu.memory_space<hbm>> -> memref<80xi32, #tpu.memory_space<hbm>>
        %dma_start3A_208 = arith.constant 0 : i32
        %dma_start3A_209 = tpu.memref_slice %arg3[%arg0, %arg1, %add3A_204, %dma_start3A_208] : memref<2x16x125x80xi32, #tpu.memory_space<hbm>> -> memref<1x1x1x80xi32, #tpu.memory_space<hbm>>
        %dma_start3A_210 = tpu.memref_squeeze %dma_start3A_209 : memref<1x1x1x80xi32, #tpu.memory_space<hbm>> -> memref<80xi32, #tpu.memory_space<hbm>>
        tpu.enqueue_dma source(%dma_start3A_210 : memref<80xi32, #tpu.memory_space<hbm>>) target(%arg11 : memref<80xi32, #tpu.memory_space<vmem>>) target_semaphore(%arg21 : memref<!tpu.dma_semaphore, #tpu.memory_space<semaphore_mem>>)
      } else {
      }
      %add3A_170 = arith.constant 2 : i32
      %add3A_171 = arith.addi %add3A_153, %add3A_170 : i32
      %lt3A_172 = arith.constant 125 : i32
      %lt3A_173 = arith.cmpi slt, %add3A_171, %lt3A_172 : i32
      %convert_element_type3A_174 = arith.extui %lt3A_173 : i1 to i32
      %cond3A_175 = arith.constant 0 : i32
      %cond3A_176 = arith.cmpi ne, %convert_element_type3A_174, %cond3A_175 : i32
      scf.if %cond3A_176 {
        %ge3A = arith.constant 1 : i32
        %ge3A_203 = arith.cmpi sge, %add3A_153, %ge3A : i32
        %convert_element_type3A_204 = arith.extui %ge3A_203 : i1 to i32
        %cond3A_205 = arith.constant 0 : i32
        %cond3A_206 = arith.cmpi ne, %convert_element_type3A_204, %cond3A_205 : i32
        scf.if %cond3A_206 {
          %sub3A = arith.constant 1 : i32
          %sub3A_218 = arith.subi %add3A_153, %sub3A : i32
          %dma_wait3A_219 = arith.constant 0 : i32
          %dma_wait3A_220 = tpu.memref_slice %arg6[%sub3A_218, %dma_wait3A_219] : memref<125x80xi32, #tpu.memory_space<vmem>> -> memref<1x80xi32, #tpu.memory_space<vmem>>
          %dma_wait3A_221 = tpu.memref_squeeze %dma_wait3A_220 : memref<1x80xi32, #tpu.memory_space<vmem>> -> memref<80xi32, #tpu.memory_space<vmem>>
          %dma_wait3A_222 = arith.constant 0 : i32
          %dma_wait3A_223 = arith.constant 0 : i32
          %dma_wait3A_224 = tpu.memref_slice %arg13[%dma_wait3A_222, %dma_wait3A_223] : memref<10240x128xf32, #tpu.memory_space<vmem_shared>> -> memref<10240x128xf32, #tpu.memory_space<vmem_shared>>
          tpu.wait_indirect_dma semaphore(%arg17 : memref<!tpu.dma_semaphore, #tpu.memory_space<semaphore_mem>>) src(%arg7 : memref<80x128xf32, #tpu.memory_space<vmem>>) dst(%dma_wait3A_224 : memref<10240x128xf32, #tpu.memory_space<vmem_shared>>)
        } else {
        }
        %add3A_207 = arith.constant 2 : i32
        %add3A_208 = arith.addi %add3A_153, %add3A_207 : i32
        %dma_wait3A_209 = arith.constant 0 : i32
        %dma_wait3A_210 = tpu.memref_slice %arg3[%arg0, %arg1, %add3A_208, %dma_wait3A_209] : memref<2x16x125x80xi32, #tpu.memory_space<hbm>> -> memref<1x1x1x80xi32, #tpu.memory_space<hbm>>
        %dma_wait3A_211 = tpu.memref_squeeze %dma_wait3A_210 : memref<1x1x1x80xi32, #tpu.memory_space<hbm>> -> memref<80xi32, #tpu.memory_space<hbm>>
        %dma_wait3A_212 = arith.constant 0 : i32
        %dma_wait3A_213 = tpu.memref_slice %arg3[%arg0, %arg1, %add3A_208, %dma_wait3A_212] : memref<2x16x125x80xi32, #tpu.memory_space<hbm>> -> memref<1x1x1x80xi32, #tpu.memory_space<hbm>>
        %dma_wait3A_214 = tpu.memref_squeeze %dma_wait3A_213 : memref<1x1x1x80xi32, #tpu.memory_space<hbm>> -> memref<80xi32, #tpu.memory_space<hbm>>
        tpu.wait_dma2 semaphore(%arg20 : memref<!tpu.dma_semaphore, #tpu.memory_space<semaphore_mem>>) src(%dma_wait3A_214 : memref<80xi32, #tpu.memory_space<hbm>>) dst(%arg10 : memref<80xi32, #tpu.memory_space<vmem>>)
        %dma_start3A_215 = arith.constant 0 : i32
        %dma_start3A_216 = arith.constant 0 : i32
        %dma_start3A_217 = tpu.memref_slice %arg2[%dma_start3A_215, %dma_start3A_216] : memref<20480x128xf32, #tpu.memory_space<hbm>> -> memref<20480x128xf32, #tpu.memory_space<hbm>>
        tpu.enqueue_indirect_dma source(%dma_start3A_217 : memref<20480x128xf32, #tpu.memory_space<hbm>>) target(%arg7 : memref<80x128xf32, #tpu.memory_space<vmem>>) offsets(%arg10 : memref<80xi32, #tpu.memory_space<vmem>>) semaphore(%arg14 : memref<!tpu.dma_semaphore, #tpu.memory_space<semaphore_mem>>)
      } else {
      }
      %add3A_177 = arith.constant 2 : i32
      %add3A_178 = arith.addi %mul3A_131, %add3A_177 : i32
      %dma_wait3A_179 = arith.constant 0 : i32
      %dma_wait3A_180 = arith.constant 0 : i32
      %dma_wait3A_181 = tpu.memref_slice %arg2[%dma_wait3A_179, %dma_wait3A_180] : memref<20480x128xf32, #tpu.memory_space<hbm>> -> memref<20480x128xf32, #tpu.memory_space<hbm>>
      tpu.wait_indirect_dma semaphore(%arg16 : memref<!tpu.dma_semaphore, #tpu.memory_space<semaphore_mem>>) src(%dma_wait3A_181 : memref<20480x128xf32, #tpu.memory_space<hbm>>) dst(%arg9 : memref<80x128xf32, #tpu.memory_space<vmem>>)
      %dma_start3A_182 = arith.constant 0 : i32
      %dma_start3A_183 = tpu.memref_slice %arg6[%add3A_178, %dma_start3A_182] : memref<125x80xi32, #tpu.memory_space<vmem>> -> memref<1x80xi32, #tpu.memory_space<vmem>>
      %dma_start3A_184 = tpu.memref_squeeze %dma_start3A_183 : memref<1x80xi32, #tpu.memory_space<vmem>> -> memref<80xi32, #tpu.memory_space<vmem>>
      %dma_start3A_185 = arith.constant 0 : i32
      %dma_start3A_186 = arith.constant 0 : i32
      %dma_start3A_187 = tpu.memref_slice %arg13[%dma_start3A_185, %dma_start3A_186] : memref<10240x128xf32, #tpu.memory_space<vmem_shared>> -> memref<10240x128xf32, #tpu.memory_space<vmem_shared>>
      tpu.enqueue_indirect_dma source(%arg9 : memref<80x128xf32, #tpu.memory_space<vmem>>) target(%dma_start3A_187 : memref<10240x128xf32, #tpu.memory_space<vmem_shared>>) offsets(%dma_start3A_184 : memref<80xi32, #tpu.memory_space<vmem>>) semaphore(%arg19 : memref<!tpu.dma_semaphore, #tpu.memory_space<semaphore_mem>>) {add = true}
      %add3A_188 = arith.constant 3 : i32
      %add3A_189 = arith.addi %add3A_178, %add3A_188 : i32
      %lt3A_190 = arith.constant 125 : i32
      %lt3A_191 = arith.cmpi slt, %add3A_189, %lt3A_190 : i32
      %convert_element_type3A_192 = arith.extui %lt3A_191 : i1 to i32
      %cond3A_193 = arith.constant 0 : i32
      %cond3A_194 = arith.cmpi ne, %convert_element_type3A_192, %cond3A_193 : i32
      scf.if %cond3A_194 {
        %add3A_203 = arith.constant 3 : i32
        %add3A_204 = arith.addi %add3A_178, %add3A_203 : i32
        %dma_start3A_205 = arith.constant 0 : i32
        %dma_start3A_206 = tpu.memref_slice %arg3[%arg0, %arg1, %add3A_204, %dma_start3A_205] : memref<2x16x125x80xi32, #tpu.memory_space<hbm>> -> memref<1x1x1x80xi32, #tpu.memory_space<hbm>>
        %dma_start3A_207 = tpu.memref_squeeze %dma_start3A_206 : memref<1x1x1x80xi32, #tpu.memory_space<hbm>> -> memref<80xi32, #tpu.memory_space<hbm>>
        %dma_start3A_208 = arith.constant 0 : i32
        %dma_start3A_209 = tpu.memref_slice %arg3[%arg0, %arg1, %add3A_204, %dma_start3A_208] : memref<2x16x125x80xi32, #tpu.memory_space<hbm>> -> memref<1x1x1x80xi32, #tpu.memory_space<hbm>>
        %dma_start3A_210 = tpu.memref_squeeze %dma_start3A_209 : memref<1x1x1x80xi32, #tpu.memory_space<hbm>> -> memref<80xi32, #tpu.memory_space<hbm>>
        tpu.enqueue_dma source(%dma_start3A_210 : memref<80xi32, #tpu.memory_space<hbm>>) target(%arg12 : memref<80xi32, #tpu.memory_space<vmem>>) target_semaphore(%arg22 : memref<!tpu.dma_semaphore, #tpu.memory_space<semaphore_mem>>)
      } else {
      }
      %add3A_195 = arith.constant 2 : i32
      %add3A_196 = arith.addi %add3A_178, %add3A_195 : i32
      %lt3A_197 = arith.constant 125 : i32
      %lt3A_198 = arith.cmpi slt, %add3A_196, %lt3A_197 : i32
      %convert_element_type3A_199 = arith.extui %lt3A_198 : i1 to i32
      %cond3A_200 = arith.constant 0 : i32
      %cond3A_201 = arith.cmpi ne, %convert_element_type3A_199, %cond3A_200 : i32
      scf.if %cond3A_201 {
        %ge3A = arith.constant 1 : i32
        %ge3A_203 = arith.cmpi sge, %add3A_178, %ge3A : i32
        %convert_element_type3A_204 = arith.extui %ge3A_203 : i1 to i32
        %cond3A_205 = arith.constant 0 : i32
        %cond3A_206 = arith.cmpi ne, %convert_element_type3A_204, %cond3A_205 : i32
        scf.if %cond3A_206 {
          %sub3A = arith.constant 1 : i32
          %sub3A_218 = arith.subi %add3A_178, %sub3A : i32
          %dma_wait3A_219 = arith.constant 0 : i32
          %dma_wait3A_220 = tpu.memref_slice %arg6[%sub3A_218, %dma_wait3A_219] : memref<125x80xi32, #tpu.memory_space<vmem>> -> memref<1x80xi32, #tpu.memory_space<vmem>>
          %dma_wait3A_221 = tpu.memref_squeeze %dma_wait3A_220 : memref<1x80xi32, #tpu.memory_space<vmem>> -> memref<80xi32, #tpu.memory_space<vmem>>
          %dma_wait3A_222 = arith.constant 0 : i32
          %dma_wait3A_223 = arith.constant 0 : i32
          %dma_wait3A_224 = tpu.memref_slice %arg13[%dma_wait3A_222, %dma_wait3A_223] : memref<10240x128xf32, #tpu.memory_space<vmem_shared>> -> memref<10240x128xf32, #tpu.memory_space<vmem_shared>>
          tpu.wait_indirect_dma semaphore(%arg18 : memref<!tpu.dma_semaphore, #tpu.memory_space<semaphore_mem>>) src(%arg8 : memref<80x128xf32, #tpu.memory_space<vmem>>) dst(%dma_wait3A_224 : memref<10240x128xf32, #tpu.memory_space<vmem_shared>>)
        } else {
        }
        %add3A_207 = arith.constant 2 : i32
        %add3A_208 = arith.addi %add3A_178, %add3A_207 : i32
        %dma_wait3A_209 = arith.constant 0 : i32
        %dma_wait3A_210 = tpu.memref_slice %arg3[%arg0, %arg1, %add3A_208, %dma_wait3A_209] : memref<2x16x125x80xi32, #tpu.memory_space<hbm>> -> memref<1x1x1x80xi32, #tpu.memory_space<hbm>>
        %dma_wait3A_211 = tpu.memref_squeeze %dma_wait3A_210 : memref<1x1x1x80xi32, #tpu.memory_space<hbm>> -> memref<80xi32, #tpu.memory_space<hbm>>
        %dma_wait3A_212 = arith.constant 0 : i32
        %dma_wait3A_213 = tpu.memref_slice %arg3[%arg0, %arg1, %add3A_208, %dma_wait3A_212] : memref<2x16x125x80xi32, #tpu.memory_space<hbm>> -> memref<1x1x1x80xi32, #tpu.memory_space<hbm>>
        %dma_wait3A_214 = tpu.memref_squeeze %dma_wait3A_213 : memref<1x1x1x80xi32, #tpu.memory_space<hbm>> -> memref<80xi32, #tpu.memory_space<hbm>>
        tpu.wait_dma2 semaphore(%arg21 : memref<!tpu.dma_semaphore, #tpu.memory_space<semaphore_mem>>) src(%dma_wait3A_214 : memref<80xi32, #tpu.memory_space<hbm>>) dst(%arg11 : memref<80xi32, #tpu.memory_space<vmem>>)
        %dma_start3A_215 = arith.constant 0 : i32
        %dma_start3A_216 = arith.constant 0 : i32
        %dma_start3A_217 = tpu.memref_slice %arg2[%dma_start3A_215, %dma_start3A_216] : memref<20480x128xf32, #tpu.memory_space<hbm>> -> memref<20480x128xf32, #tpu.memory_space<hbm>>
        tpu.enqueue_indirect_dma source(%dma_start3A_217 : memref<20480x128xf32, #tpu.memory_space<hbm>>) target(%arg8 : memref<80x128xf32, #tpu.memory_space<vmem>>) offsets(%arg11 : memref<80xi32, #tpu.memory_space<vmem>>) semaphore(%arg15 : memref<!tpu.dma_semaphore, #tpu.memory_space<semaphore_mem>>)
      } else {
      }
      %scan3A_202 = arith.constant 0 : i32
      scf.yield %scan3A_202 : i32
    }
    %scan3A_81 = arith.constant 41 : i32
    %dma_wait3A_82 = arith.constant 0 : i32
    %dma_wait3A_83 = arith.constant 0 : i32
    %dma_wait3A_84 = tpu.memref_slice %arg2[%dma_wait3A_82, %dma_wait3A_83] : memref<20480x128xf32, #tpu.memory_space<hbm>> -> memref<20480x128xf32, #tpu.memory_space<hbm>>
    tpu.wait_indirect_dma semaphore(%arg14 : memref<!tpu.dma_semaphore, #tpu.memory_space<semaphore_mem>>) src(%dma_wait3A_84 : memref<20480x128xf32, #tpu.memory_space<hbm>>) dst(%arg7 : memref<80x128xf32, #tpu.memory_space<vmem>>)
    %dma_start3A_85 = arith.constant 123 : i32
    %dma_start3A_86 = arith.constant 0 : i32
    %dma_start3A_87 = tpu.memref_slice %arg6[%dma_start3A_85, %dma_start3A_86] : memref<125x80xi32, #tpu.memory_space<vmem>> -> memref<1x80xi32, #tpu.memory_space<vmem>>
    %dma_start3A_88 = tpu.memref_squeeze %dma_start3A_87 : memref<1x80xi32, #tpu.memory_space<vmem>> -> memref<80xi32, #tpu.memory_space<vmem>>
    %dma_start3A_89 = arith.constant 0 : i32
    %dma_start3A_90 = arith.constant 0 : i32
    %dma_start3A_91 = tpu.memref_slice %arg13[%dma_start3A_89, %dma_start3A_90] : memref<10240x128xf32, #tpu.memory_space<vmem_shared>> -> memref<10240x128xf32, #tpu.memory_space<vmem_shared>>
    tpu.enqueue_indirect_dma source(%arg7 : memref<80x128xf32, #tpu.memory_space<vmem>>) target(%dma_start3A_91 : memref<10240x128xf32, #tpu.memory_space<vmem_shared>>) offsets(%dma_start3A_88 : memref<80xi32, #tpu.memory_space<vmem>>) semaphore(%arg17 : memref<!tpu.dma_semaphore, #tpu.memory_space<semaphore_mem>>) {add = true}
    %dma_wait3A_92 = arith.constant 0 : i32
    %dma_wait3A_93 = arith.constant 0 : i32
    %dma_wait3A_94 = tpu.memref_slice %arg2[%dma_wait3A_92, %dma_wait3A_93] : memref<20480x128xf32, #tpu.memory_space<hbm>> -> memref<20480x128xf32, #tpu.memory_space<hbm>>
    tpu.wait_indirect_dma semaphore(%arg15 : memref<!tpu.dma_semaphore, #tpu.memory_space<semaphore_mem>>) src(%dma_wait3A_94 : memref<20480x128xf32, #tpu.memory_space<hbm>>) dst(%arg8 : memref<80x128xf32, #tpu.memory_space<vmem>>)
    %dma_start3A_95 = arith.constant 124 : i32
    %dma_start3A_96 = arith.constant 0 : i32
    %dma_start3A_97 = tpu.memref_slice %arg6[%dma_start3A_95, %dma_start3A_96] : memref<125x80xi32, #tpu.memory_space<vmem>> -> memref<1x80xi32, #tpu.memory_space<vmem>>
    %dma_start3A_98 = tpu.memref_squeeze %dma_start3A_97 : memref<1x80xi32, #tpu.memory_space<vmem>> -> memref<80xi32, #tpu.memory_space<vmem>>
    %dma_start3A_99 = arith.constant 0 : i32
    %dma_start3A_100 = arith.constant 0 : i32
    %dma_start3A_101 = tpu.memref_slice %arg13[%dma_start3A_99, %dma_start3A_100] : memref<10240x128xf32, #tpu.memory_space<vmem_shared>> -> memref<10240x128xf32, #tpu.memory_space<vmem_shared>>
    tpu.enqueue_indirect_dma source(%arg8 : memref<80x128xf32, #tpu.memory_space<vmem>>) target(%dma_start3A_101 : memref<10240x128xf32, #tpu.memory_space<vmem_shared>>) offsets(%dma_start3A_98 : memref<80xi32, #tpu.memory_space<vmem>>) semaphore(%arg18 : memref<!tpu.dma_semaphore, #tpu.memory_space<semaphore_mem>>) {add = true}
    %dma_wait3A_102 = arith.constant 122 : i32
    %dma_wait3A_103 = arith.constant 0 : i32
    %dma_wait3A_104 = tpu.memref_slice %arg6[%dma_wait3A_102, %dma_wait3A_103] : memref<125x80xi32, #tpu.memory_space<vmem>> -> memref<1x80xi32, #tpu.memory_space<vmem>>
    %dma_wait3A_105 = tpu.memref_squeeze %dma_wait3A_104 : memref<1x80xi32, #tpu.memory_space<vmem>> -> memref<80xi32, #tpu.memory_space<vmem>>
    %dma_wait3A_106 = arith.constant 0 : i32
    %dma_wait3A_107 = arith.constant 0 : i32
    %dma_wait3A_108 = tpu.memref_slice %arg13[%dma_wait3A_106, %dma_wait3A_107] : memref<10240x128xf32, #tpu.memory_space<vmem_shared>> -> memref<10240x128xf32, #tpu.memory_space<vmem_shared>>
    tpu.wait_indirect_dma semaphore(%arg19 : memref<!tpu.dma_semaphore, #tpu.memory_space<semaphore_mem>>) src(%arg9 : memref<80x128xf32, #tpu.memory_space<vmem>>) dst(%dma_wait3A_108 : memref<10240x128xf32, #tpu.memory_space<vmem_shared>>)
    %dma_wait3A_109 = arith.constant 123 : i32
    %dma_wait3A_110 = arith.constant 0 : i32
    %dma_wait3A_111 = tpu.memref_slice %arg6[%dma_wait3A_109, %dma_wait3A_110] : memref<125x80xi32, #tpu.memory_space<vmem>> -> memref<1x80xi32, #tpu.memory_space<vmem>>
    %dma_wait3A_112 = tpu.memref_squeeze %dma_wait3A_111 : memref<1x80xi32, #tpu.memory_space<vmem>> -> memref<80xi32, #tpu.memory_space<vmem>>
    %dma_wait3A_113 = arith.constant 0 : i32
    %dma_wait3A_114 = arith.constant 0 : i32
    %dma_wait3A_115 = tpu.memref_slice %arg13[%dma_wait3A_113, %dma_wait3A_114] : memref<10240x128xf32, #tpu.memory_space<vmem_shared>> -> memref<10240x128xf32, #tpu.memory_space<vmem_shared>>
    tpu.wait_indirect_dma semaphore(%arg17 : memref<!tpu.dma_semaphore, #tpu.memory_space<semaphore_mem>>) src(%arg7 : memref<80x128xf32, #tpu.memory_space<vmem>>) dst(%dma_wait3A_115 : memref<10240x128xf32, #tpu.memory_space<vmem_shared>>)
    %dma_wait3A_116 = arith.constant 124 : i32
    %dma_wait3A_117 = arith.constant 0 : i32
    %dma_wait3A_118 = tpu.memref_slice %arg6[%dma_wait3A_116, %dma_wait3A_117] : memref<125x80xi32, #tpu.memory_space<vmem>> -> memref<1x80xi32, #tpu.memory_space<vmem>>
    %dma_wait3A_119 = tpu.memref_squeeze %dma_wait3A_118 : memref<1x80xi32, #tpu.memory_space<vmem>> -> memref<80xi32, #tpu.memory_space<vmem>>
    %dma_wait3A_120 = arith.constant 0 : i32
    %dma_wait3A_121 = arith.constant 0 : i32
    %dma_wait3A_122 = tpu.memref_slice %arg13[%dma_wait3A_120, %dma_wait3A_121] : memref<10240x128xf32, #tpu.memory_space<vmem_shared>> -> memref<10240x128xf32, #tpu.memory_space<vmem_shared>>
    tpu.wait_indirect_dma semaphore(%arg18 : memref<!tpu.dma_semaphore, #tpu.memory_space<semaphore_mem>>) src(%arg8 : memref<80x128xf32, #tpu.memory_space<vmem>>) dst(%dma_wait3A_122 : memref<10240x128xf32, #tpu.memory_space<vmem_shared>>)
    %barrier3A_123 = arith.constant 0 : index
    tpu.barrier barrier_id(%barrier3A_123)
    %mul3A_124 = arith.constant 640 : i32
    %mul3A_125 = arith.muli %arg1, %mul3A_124 : i32
    %mul3A_126 = arith.constant 640 : i32
    %mul3A_127 = arith.muli %arg1, %mul3A_126 : i32
    "tpu.region"() ({
      %run_scoped3A = tpu.sem_alloc : memref<!tpu.dma_semaphore, #tpu.memory_space<semaphore_mem>>
      %dma_start3A_128 = arith.constant 0 : i32
      %dma_start3A_129 = tpu.memref_slice %arg5[%arg0, %mul3A_127, %dma_start3A_128] : memref<2x10240x128xf32, #tpu.memory_space<hbm>> -> memref<1x640x128xf32, #tpu.memory_space<hbm>>
      %dma_start3A_130 = tpu.memref_squeeze %dma_start3A_129 : memref<1x640x128xf32, #tpu.memory_space<hbm>> -> memref<640x128xf32, #tpu.memory_space<hbm>>
      %dma_start3A_131 = arith.constant 0 : i32
      %dma_start3A_132 = tpu.memref_slice %arg13[%mul3A_125, %dma_start3A_131] : memref<10240x128xf32, #tpu.memory_space<vmem_shared>> -> memref<640x128xf32, #tpu.memory_space<vmem_shared>>
      tpu.enqueue_dma source(%dma_start3A_132 : memref<640x128xf32, #tpu.memory_space<vmem_shared>>) target(%dma_start3A_130 : memref<640x128xf32, #tpu.memory_space<hbm>>) target_semaphore(%run_scoped3A : memref<!tpu.dma_semaphore, #tpu.memory_space<semaphore_mem>>)
      %dma_wait3A_133 = arith.constant 0 : i32
      %dma_wait3A_134 = tpu.memref_slice %arg5[%arg0, %mul3A_127, %dma_wait3A_133] : memref<2x10240x128xf32, #tpu.memory_space<hbm>> -> memref<1x640x128xf32, #tpu.memory_space<hbm>>
      %dma_wait3A_135 = tpu.memref_squeeze %dma_wait3A_134 : memref<1x640x128xf32, #tpu.memory_space<hbm>> -> memref<640x128xf32, #tpu.memory_space<hbm>>
      %dma_wait3A_136 = arith.constant 0 : i32
      %dma_wait3A_137 = tpu.memref_slice %arg13[%mul3A_125, %dma_wait3A_136] : memref<10240x128xf32, #tpu.memory_space<vmem_shared>> -> memref<640x128xf32, #tpu.memory_space<vmem_shared>>
      tpu.wait_dma2 semaphore(%run_scoped3A : memref<!tpu.dma_semaphore, #tpu.memory_space<semaphore_mem>>) src(%dma_wait3A_137 : memref<640x128xf32, #tpu.memory_space<vmem_shared>>) dst(%dma_wait3A_135 : memref<640x128xf32, #tpu.memory_space<hbm>>)
      tpu.yield
    }) : () -> ()
    return
  }
}

#map = affine_map<(d0, d1) -> (0, 0, 0)>
#map1 = affine_map<(d0, d1) -> (0, 0)>
module attributes {stable_mosaic.version = 14 : i64} {
  func.func @_deg_body(%arg0: i32, %arg1: i32, %arg2: memref<32x40x125xi32, #tpu.memory_space<hbm>>, %arg3: memref<2x10240xf32, #tpu.memory_space<hbm>>, %arg4: memref<40x125xi32, #tpu.memory_space<vmem>>, %arg5: memref<128xf32, #tpu.memory_space<vmem>>, %arg6: memref<640xf32, #tpu.memory_space<vmem>>, %arg7: memref<10240xf32, #tpu.memory_space<vmem_shared>>, %arg8: memref<!tpu.dma_semaphore, #tpu.memory_space<semaphore_mem>>) attributes {dimension_semantics = [#tpu.dimension_semantics<core_parallel>, #tpu.dimension_semantics<subcore_parallel>], iteration_bounds = array<i64: 2, 16>, scalar_prefetch = 0 : i64, scratch_operands = 5 : i64, tpu.core_type = #tpu.core_type<sc_vector_subcore>, window_params = [{transform_indices = #map}, {transform_indices = #map1}]} {
    %mul3A = arith.constant 16 : i32
    %mul3A_0 = arith.muli %arg0, %mul3A : i32
    %add3A = arith.addi %mul3A_0, %arg1 : i32
    %broadcast_in_dim3A = arith.constant 1.000000e+00 : f32
    %broadcast_in_dim3A_1 = vector.broadcast %broadcast_in_dim3A : f32 to vector<16xf32>
    %swap3A = arith.constant 0 : index
    %swap3A_2 = tpu.vector_load %arg5[%swap3A] {strides = array<i32>} : memref<128xf32, #tpu.memory_space<vmem>>, vector<16xf32>,
    %swap3A_3 = vector.shape_cast %swap3A_2 : vector<16xf32> to vector<16xf32>
    %swap3A_4 = vector.shape_cast %broadcast_in_dim3A_1 : vector<16xf32> to vector<16xf32>
    tpu.vector_store %arg5[%swap3A], %swap3A_4 {strides = array<i32>} : memref<128xf32, #tpu.memory_space<vmem>>, vector<16xf32>,
    %broadcast_in_dim3A_5 = arith.constant 1.000000e+00 : f32
    %broadcast_in_dim3A_6 = vector.broadcast %broadcast_in_dim3A_5 : f32 to vector<16xf32>
    %swap3A_7 = arith.constant 16 : index
    %swap3A_8 = tpu.vector_load %arg5[%swap3A_7] {strides = array<i32>} : memref<128xf32, #tpu.memory_space<vmem>>, vector<16xf32>,
    %swap3A_9 = vector.shape_cast %swap3A_8 : vector<16xf32> to vector<16xf32>
    %swap3A_10 = vector.shape_cast %broadcast_in_dim3A_6 : vector<16xf32> to vector<16xf32>
    tpu.vector_store %arg5[%swap3A_7], %swap3A_10 {strides = array<i32>} : memref<128xf32, #tpu.memory_space<vmem>>, vector<16xf32>,
    %broadcast_in_dim3A_11 = arith.constant 1.000000e+00 : f32
    %broadcast_in_dim3A_12 = vector.broadcast %broadcast_in_dim3A_11 : f32 to vector<16xf32>
    %swap3A_13 = arith.constant 32 : index
    %swap3A_14 = tpu.vector_load %arg5[%swap3A_13] {strides = array<i32>} : memref<128xf32, #tpu.memory_space<vmem>>, vector<16xf32>,
    %swap3A_15 = vector.shape_cast %swap3A_14 : vector<16xf32> to vector<16xf32>
    %swap3A_16 = vector.shape_cast %broadcast_in_dim3A_12 : vector<16xf32> to vector<16xf32>
    tpu.vector_store %arg5[%swap3A_13], %swap3A_16 {strides = array<i32>} : memref<128xf32, #tpu.memory_space<vmem>>, vector<16xf32>,
    %broadcast_in_dim3A_17 = arith.constant 1.000000e+00 : f32
    %broadcast_in_dim3A_18 = vector.broadcast %broadcast_in_dim3A_17 : f32 to vector<16xf32>
    %swap3A_19 = arith.constant 48 : index
    %swap3A_20 = tpu.vector_load %arg5[%swap3A_19] {strides = array<i32>} : memref<128xf32, #tpu.memory_space<vmem>>, vector<16xf32>,
    %swap3A_21 = vector.shape_cast %swap3A_20 : vector<16xf32> to vector<16xf32>
    %swap3A_22 = vector.shape_cast %broadcast_in_dim3A_18 : vector<16xf32> to vector<16xf32>
    tpu.vector_store %arg5[%swap3A_19], %swap3A_22 {strides = array<i32>} : memref<128xf32, #tpu.memory_space<vmem>>, vector<16xf32>,
    %broadcast_in_dim3A_23 = arith.constant 1.000000e+00 : f32
    %broadcast_in_dim3A_24 = vector.broadcast %broadcast_in_dim3A_23 : f32 to vector<16xf32>
    %swap3A_25 = arith.constant 64 : index
    %swap3A_26 = tpu.vector_load %arg5[%swap3A_25] {strides = array<i32>} : memref<128xf32, #tpu.memory_space<vmem>>, vector<16xf32>,
    %swap3A_27 = vector.shape_cast %swap3A_26 : vector<16xf32> to vector<16xf32>
    %swap3A_28 = vector.shape_cast %broadcast_in_dim3A_24 : vector<16xf32> to vector<16xf32>
    tpu.vector_store %arg5[%swap3A_25], %swap3A_28 {strides = array<i32>} : memref<128xf32, #tpu.memory_space<vmem>>, vector<16xf32>,
    %broadcast_in_dim3A_29 = arith.constant 1.000000e+00 : f32
    %broadcast_in_dim3A_30 = vector.broadcast %broadcast_in_dim3A_29 : f32 to vector<16xf32>
    %swap3A_31 = arith.constant 80 : index
    %swap3A_32 = tpu.vector_load %arg5[%swap3A_31] {strides = array<i32>} : memref<128xf32, #tpu.memory_space<vmem>>, vector<16xf32>,
    %swap3A_33 = vector.shape_cast %swap3A_32 : vector<16xf32> to vector<16xf32>
    %swap3A_34 = vector.shape_cast %broadcast_in_dim3A_30 : vector<16xf32> to vector<16xf32>
    tpu.vector_store %arg5[%swap3A_31], %swap3A_34 {strides = array<i32>} : memref<128xf32, #tpu.memory_space<vmem>>, vector<16xf32>,
    %broadcast_in_dim3A_35 = arith.constant 1.000000e+00 : f32
    %broadcast_in_dim3A_36 = vector.broadcast %broadcast_in_dim3A_35 : f32 to vector<16xf32>
    %swap3A_37 = arith.constant 96 : index
    %swap3A_38 = tpu.vector_load %arg5[%swap3A_37] {strides = array<i32>} : memref<128xf32, #tpu.memory_space<vmem>>, vector<16xf32>,
    %swap3A_39 = vector.shape_cast %swap3A_38 : vector<16xf32> to vector<16xf32>
    %swap3A_40 = vector.shape_cast %broadcast_in_dim3A_36 : vector<16xf32> to vector<16xf32>
    tpu.vector_store %arg5[%swap3A_37], %swap3A_40 {strides = array<i32>} : memref<128xf32, #tpu.memory_space<vmem>>, vector<16xf32>,
    %broadcast_in_dim3A_41 = arith.constant 1.000000e+00 : f32
    %broadcast_in_dim3A_42 = vector.broadcast %broadcast_in_dim3A_41 : f32 to vector<16xf32>
    %swap3A_43 = arith.constant 112 : index
    %swap3A_44 = tpu.vector_load %arg5[%swap3A_43] {strides = array<i32>} : memref<128xf32, #tpu.memory_space<vmem>>, vector<16xf32>,
    %swap3A_45 = vector.shape_cast %swap3A_44 : vector<16xf32> to vector<16xf32>
    %swap3A_46 = vector.shape_cast %broadcast_in_dim3A_42 : vector<16xf32> to vector<16xf32>
    tpu.vector_store %arg5[%swap3A_43], %swap3A_46 {strides = array<i32>} : memref<128xf32, #tpu.memory_space<vmem>>, vector<16xf32>,
    %scan3A = arith.constant 0 : i32
    %scan3A_47 = arith.constant 0 : i32
    %scan3A_48 = arith.constant 40 : i32
    %scan3A_49 = arith.addi %scan3A_47, %scan3A_48 : i32
    %scan3A_50 = arith.constant 1 : i32
    %scan3A_51 = scf.for %scan3A_67 = %scan3A_47 to %scan3A_49 step %scan3A_50 iter_args(%scan3A_68 = %scan3A) -> (i32)  : i32 {
      %broadcast_in_dim3A_69 = arith.constant 0.000000e+00 : f32
      %broadcast_in_dim3A_70 = vector.broadcast %broadcast_in_dim3A_69 : f32 to vector<16xf32>
      %mul3A_71 = arith.constant 16 : i32
      %mul3A_72 = arith.muli %scan3A_67, %mul3A_71 : i32
      %swap3A_73 = arith.index_cast %mul3A_72 : i32 to index
      %swap3A_74 = tpu.vector_load %arg6[%swap3A_73] {strides = array<i32>} : memref<640xf32, #tpu.memory_space<vmem>>, vector<16xf32>,
      %swap3A_75 = vector.shape_cast %swap3A_74 : vector<16xf32> to vector<16xf32>
      %swap3A_76 = vector.shape_cast %broadcast_in_dim3A_70 : vector<16xf32> to vector<16xf32>
      tpu.vector_store %arg6[%swap3A_73], %swap3A_76 {strides = array<i32>} : memref<640xf32, #tpu.memory_space<vmem>>, vector<16xf32>,
      %scan3A_77 = arith.constant 0 : i32
      scf.yield %scan3A_77 : i32
    }
    %scan3A_52 = arith.constant 40 : i32
    %mul3A_53 = arith.constant 640 : i32
    %mul3A_54 = arith.muli %arg1, %mul3A_53 : i32
    "tpu.region"() ({
      %run_scoped3A = tpu.sem_alloc : memref<!tpu.dma_semaphore, #tpu.memory_space<semaphore_mem>>
      %dma_start3A = tpu.memref_slice %arg7[%mul3A_54] : memref<10240xf32, #tpu.memory_space<vmem_shared>> -> memref<640xf32, #tpu.memory_space<vmem_shared>>
      %dma_start3A_67 = tpu.memref_slice %arg7[%mul3A_54] : memref<10240xf32, #tpu.memory_space<vmem_shared>> -> memref<640xf32, #tpu.memory_space<vmem_shared>>
      tpu.enqueue_dma source(%arg6 : memref<640xf32, #tpu.memory_space<vmem>>) target(%dma_start3A_67 : memref<640xf32, #tpu.memory_space<vmem_shared>>) target_semaphore(%run_scoped3A : memref<!tpu.dma_semaphore, #tpu.memory_space<semaphore_mem>>)
      %dma_wait3A = tpu.memref_slice %arg7[%mul3A_54] : memref<10240xf32, #tpu.memory_space<vmem_shared>> -> memref<640xf32, #tpu.memory_space<vmem_shared>>
      %dma_wait3A_68 = tpu.memref_slice %arg7[%mul3A_54] : memref<10240xf32, #tpu.memory_space<vmem_shared>> -> memref<640xf32, #tpu.memory_space<vmem_shared>>
      tpu.wait_dma2 semaphore(%run_scoped3A : memref<!tpu.dma_semaphore, #tpu.memory_space<semaphore_mem>>) src(%arg6 : memref<640xf32, #tpu.memory_space<vmem>>) dst(%dma_wait3A_68 : memref<640xf32, #tpu.memory_space<vmem_shared>>)
      tpu.yield
    }) : () -> ()
    "tpu.region"() ({
      %run_scoped3A = tpu.sem_alloc : memref<!tpu.dma_semaphore, #tpu.memory_space<semaphore_mem>>
      %dma_start3A = arith.constant 0 : i32
      %dma_start3A_67 = arith.constant 0 : i32
      %dma_start3A_68 = tpu.memref_slice %arg2[%add3A, %dma_start3A, %dma_start3A_67] : memref<32x40x125xi32, #tpu.memory_space<hbm>> -> memref<1x40x125xi32, #tpu.memory_space<hbm>>
      %dma_start3A_69 = tpu.memref_squeeze %dma_start3A_68 : memref<1x40x125xi32, #tpu.memory_space<hbm>> -> memref<40x125xi32, #tpu.memory_space<hbm>>
      %dma_start3A_70 = arith.constant 0 : i32
      %dma_start3A_71 = arith.constant 0 : i32
      %dma_start3A_72 = tpu.memref_slice %arg2[%add3A, %dma_start3A_70, %dma_start3A_71] : memref<32x40x125xi32, #tpu.memory_space<hbm>> -> memref<1x40x125xi32, #tpu.memory_space<hbm>>
      %dma_start3A_73 = tpu.memref_squeeze %dma_start3A_72 : memref<1x40x125xi32, #tpu.memory_space<hbm>> -> memref<40x125xi32, #tpu.memory_space<hbm>>
      tpu.enqueue_dma source(%dma_start3A_73 : memref<40x125xi32, #tpu.memory_space<hbm>>) target(%arg4 : memref<40x125xi32, #tpu.memory_space<vmem>>) target_semaphore(%run_scoped3A : memref<!tpu.dma_semaphore, #tpu.memory_space<semaphore_mem>>)
      %dma_wait3A = arith.constant 0 : i32
      %dma_wait3A_74 = arith.constant 0 : i32
      %dma_wait3A_75 = tpu.memref_slice %arg2[%add3A, %dma_wait3A, %dma_wait3A_74] : memref<32x40x125xi32, #tpu.memory_space<hbm>> -> memref<1x40x125xi32, #tpu.memory_space<hbm>>
      %dma_wait3A_76 = tpu.memref_squeeze %dma_wait3A_75 : memref<1x40x125xi32, #tpu.memory_space<hbm>> -> memref<40x125xi32, #tpu.memory_space<hbm>>
      %dma_wait3A_77 = arith.constant 0 : i32
      %dma_wait3A_78 = arith.constant 0 : i32
      %dma_wait3A_79 = tpu.memref_slice %arg2[%add3A, %dma_wait3A_77, %dma_wait3A_78] : memref<32x40x125xi32, #tpu.memory_space<hbm>> -> memref<1x40x125xi32, #tpu.memory_space<hbm>>
      %dma_wait3A_80 = tpu.memref_squeeze %dma_wait3A_79 : memref<1x40x125xi32, #tpu.memory_space<hbm>> -> memref<40x125xi32, #tpu.memory_space<hbm>>
      tpu.wait_dma2 semaphore(%run_scoped3A : memref<!tpu.dma_semaphore, #tpu.memory_space<semaphore_mem>>) src(%dma_wait3A_80 : memref<40x125xi32, #tpu.memory_space<hbm>>) dst(%arg4 : memref<40x125xi32, #tpu.memory_space<vmem>>)
      tpu.yield
    }) : () -> ()
    %barrier3A = arith.constant 0 : index
    tpu.barrier barrier_id(%barrier3A)
    %scan3A_55 = arith.constant 0 : i32
    %scan3A_56 = arith.constant 0 : i32
    %scan3A_57 = arith.constant 5 : i32
    %scan3A_58 = arith.addi %scan3A_56, %scan3A_57 : i32
    %scan3A_59 = arith.constant 1 : i32
    %scan3A_60 = scf.for %scan3A_67 = %scan3A_56 to %scan3A_58 step %scan3A_59 iter_args(%scan3A_68 = %scan3A_55) -> (i32)  : i32 {
      %mul3A_69 = arith.constant 8 : i32
      %mul3A_70 = arith.muli %scan3A_67, %mul3A_69 : i32
      %add3A_71 = arith.constant 0 : i32
      %add3A_72 = arith.addi %mul3A_70, %add3A_71 : i32
      %dma_start3A = arith.constant 0 : i32
      %dma_start3A_73 = tpu.memref_slice %arg5[%dma_start3A] : memref<128xf32, #tpu.memory_space<vmem>> -> memref<125xf32, #tpu.memory_space<vmem>>
      %dma_start3A_74 = arith.constant 0 : i32
      %dma_start3A_75 = tpu.memref_slice %arg4[%add3A_72, %dma_start3A_74] : memref<40x125xi32, #tpu.memory_space<vmem>> -> memref<1x125xi32, #tpu.memory_space<vmem>>
      %dma_start3A_76 = tpu.memref_squeeze %dma_start3A_75 : memref<1x125xi32, #tpu.memory_space<vmem>> -> memref<125xi32, #tpu.memory_space<vmem>>
      %dma_start3A_77 = arith.constant 0 : i32
      %dma_start3A_78 = tpu.memref_slice %arg7[%dma_start3A_77] : memref<10240xf32, #tpu.memory_space<vmem_shared>> -> memref<10240xf32, #tpu.memory_space<vmem_shared>>
      tpu.enqueue_indirect_dma source(%dma_start3A_73 : memref<125xf32, #tpu.memory_space<vmem>>) target(%dma_start3A_78 : memref<10240xf32, #tpu.memory_space<vmem_shared>>) offsets(%dma_start3A_76 : memref<125xi32, #tpu.memory_space<vmem>>) semaphore(%arg8 : memref<!tpu.dma_semaphore, #tpu.memory_space<semaphore_mem>>) {add = true}
      %mul3A_79 = arith.constant 8 : i32
      %mul3A_80 = arith.muli %scan3A_67, %mul3A_79 : i32
      %add3A_81 = arith.constant 1 : i32
      %add3A_82 = arith.addi %mul3A_80, %add3A_81 : i32
      %dma_start3A_83 = arith.constant 0 : i32
      %dma_start3A_84 = tpu.memref_slice %arg5[%dma_start3A_83] : memref<128xf32, #tpu.memory_space<vmem>> -> memref<125xf32, #tpu.memory_space<vmem>>
      %dma_start3A_85 = arith.constant 0 : i32
      %dma_start3A_86 = tpu.memref_slice %arg4[%add3A_82, %dma_start3A_85] : memref<40x125xi32, #tpu.memory_space<vmem>> -> memref<1x125xi32, #tpu.memory_space<vmem>>
      %dma_start3A_87 = tpu.memref_squeeze %dma_start3A_86 : memref<1x125xi32, #tpu.memory_space<vmem>> -> memref<125xi32, #tpu.memory_space<vmem>>
      %dma_start3A_88 = arith.constant 0 : i32
      %dma_start3A_89 = tpu.memref_slice %arg7[%dma_start3A_88] : memref<10240xf32, #tpu.memory_space<vmem_shared>> -> memref<10240xf32, #tpu.memory_space<vmem_shared>>
      tpu.enqueue_indirect_dma source(%dma_start3A_84 : memref<125xf32, #tpu.memory_space<vmem>>) target(%dma_start3A_89 : memref<10240xf32, #tpu.memory_space<vmem_shared>>) offsets(%dma_start3A_87 : memref<125xi32, #tpu.memory_space<vmem>>) semaphore(%arg8 : memref<!tpu.dma_semaphore, #tpu.memory_space<semaphore_mem>>) {add = true}
      %mul3A_90 = arith.constant 8 : i32
      %mul3A_91 = arith.muli %scan3A_67, %mul3A_90 : i32
      %add3A_92 = arith.constant 2 : i32
      %add3A_93 = arith.addi %mul3A_91, %add3A_92 : i32
      %dma_start3A_94 = arith.constant 0 : i32
      %dma_start3A_95 = tpu.memref_slice %arg5[%dma_start3A_94] : memref<128xf32, #tpu.memory_space<vmem>> -> memref<125xf32, #tpu.memory_space<vmem>>
      %dma_start3A_96 = arith.constant 0 : i32
      %dma_start3A_97 = tpu.memref_slice %arg4[%add3A_93, %dma_start3A_96] : memref<40x125xi32, #tpu.memory_space<vmem>> -> memref<1x125xi32, #tpu.memory_space<vmem>>
      %dma_start3A_98 = tpu.memref_squeeze %dma_start3A_97 : memref<1x125xi32, #tpu.memory_space<vmem>> -> memref<125xi32, #tpu.memory_space<vmem>>
      %dma_start3A_99 = arith.constant 0 : i32
      %dma_start3A_100 = tpu.memref_slice %arg7[%dma_start3A_99] : memref<10240xf32, #tpu.memory_space<vmem_shared>> -> memref<10240xf32, #tpu.memory_space<vmem_shared>>
      tpu.enqueue_indirect_dma source(%dma_start3A_95 : memref<125xf32, #tpu.memory_space<vmem>>) target(%dma_start3A_100 : memref<10240xf32, #tpu.memory_space<vmem_shared>>) offsets(%dma_start3A_98 : memref<125xi32, #tpu.memory_space<vmem>>) semaphore(%arg8 : memref<!tpu.dma_semaphore, #tpu.memory_space<semaphore_mem>>) {add = true}
      %mul3A_101 = arith.constant 8 : i32
      %mul3A_102 = arith.muli %scan3A_67, %mul3A_101 : i32
      %add3A_103 = arith.constant 3 : i32
      %add3A_104 = arith.addi %mul3A_102, %add3A_103 : i32
      %dma_start3A_105 = arith.constant 0 : i32
      %dma_start3A_106 = tpu.memref_slice %arg5[%dma_start3A_105] : memref<128xf32, #tpu.memory_space<vmem>> -> memref<125xf32, #tpu.memory_space<vmem>>
      %dma_start3A_107 = arith.constant 0 : i32
      %dma_start3A_108 = tpu.memref_slice %arg4[%add3A_104, %dma_start3A_107] : memref<40x125xi32, #tpu.memory_space<vmem>> -> memref<1x125xi32, #tpu.memory_space<vmem>>
      %dma_start3A_109 = tpu.memref_squeeze %dma_start3A_108 : memref<1x125xi32, #tpu.memory_space<vmem>> -> memref<125xi32, #tpu.memory_space<vmem>>
      %dma_start3A_110 = arith.constant 0 : i32
      %dma_start3A_111 = tpu.memref_slice %arg7[%dma_start3A_110] : memref<10240xf32, #tpu.memory_space<vmem_shared>> -> memref<10240xf32, #tpu.memory_space<vmem_shared>>
      tpu.enqueue_indirect_dma source(%dma_start3A_106 : memref<125xf32, #tpu.memory_space<vmem>>) target(%dma_start3A_111 : memref<10240xf32, #tpu.memory_space<vmem_shared>>) offsets(%dma_start3A_109 : memref<125xi32, #tpu.memory_space<vmem>>) semaphore(%arg8 : memref<!tpu.dma_semaphore, #tpu.memory_space<semaphore_mem>>) {add = true}
      %mul3A_112 = arith.constant 8 : i32
      %mul3A_113 = arith.muli %scan3A_67, %mul3A_112 : i32
      %add3A_114 = arith.constant 4 : i32
      %add3A_115 = arith.addi %mul3A_113, %add3A_114 : i32
      %dma_start3A_116 = arith.constant 0 : i32
      %dma_start3A_117 = tpu.memref_slice %arg5[%dma_start3A_116] : memref<128xf32, #tpu.memory_space<vmem>> -> memref<125xf32, #tpu.memory_space<vmem>>
      %dma_start3A_118 = arith.constant 0 : i32
      %dma_start3A_119 = tpu.memref_slice %arg4[%add3A_115, %dma_start3A_118] : memref<40x125xi32, #tpu.memory_space<vmem>> -> memref<1x125xi32, #tpu.memory_space<vmem>>
      %dma_start3A_120 = tpu.memref_squeeze %dma_start3A_119 : memref<1x125xi32, #tpu.memory_space<vmem>> -> memref<125xi32, #tpu.memory_space<vmem>>
      %dma_start3A_121 = arith.constant 0 : i32
      %dma_start3A_122 = tpu.memref_slice %arg7[%dma_start3A_121] : memref<10240xf32, #tpu.memory_space<vmem_shared>> -> memref<10240xf32, #tpu.memory_space<vmem_shared>>
      tpu.enqueue_indirect_dma source(%dma_start3A_117 : memref<125xf32, #tpu.memory_space<vmem>>) target(%dma_start3A_122 : memref<10240xf32, #tpu.memory_space<vmem_shared>>) offsets(%dma_start3A_120 : memref<125xi32, #tpu.memory_space<vmem>>) semaphore(%arg8 : memref<!tpu.dma_semaphore, #tpu.memory_space<semaphore_mem>>) {add = true}
      %mul3A_123 = arith.constant 8 : i32
      %mul3A_124 = arith.muli %scan3A_67, %mul3A_123 : i32
      %add3A_125 = arith.constant 5 : i32
      %add3A_126 = arith.addi %mul3A_124, %add3A_125 : i32
      %dma_start3A_127 = arith.constant 0 : i32
      %dma_start3A_128 = tpu.memref_slice %arg5[%dma_start3A_127] : memref<128xf32, #tpu.memory_space<vmem>> -> memref<125xf32, #tpu.memory_space<vmem>>
      %dma_start3A_129 = arith.constant 0 : i32
      %dma_start3A_130 = tpu.memref_slice %arg4[%add3A_126, %dma_start3A_129] : memref<40x125xi32, #tpu.memory_space<vmem>> -> memref<1x125xi32, #tpu.memory_space<vmem>>
      %dma_start3A_131 = tpu.memref_squeeze %dma_start3A_130 : memref<1x125xi32, #tpu.memory_space<vmem>> -> memref<125xi32, #tpu.memory_space<vmem>>
      %dma_start3A_132 = arith.constant 0 : i32
      %dma_start3A_133 = tpu.memref_slice %arg7[%dma_start3A_132] : memref<10240xf32, #tpu.memory_space<vmem_shared>> -> memref<10240xf32, #tpu.memory_space<vmem_shared>>
      tpu.enqueue_indirect_dma source(%dma_start3A_128 : memref<125xf32, #tpu.memory_space<vmem>>) target(%dma_start3A_133 : memref<10240xf32, #tpu.memory_space<vmem_shared>>) offsets(%dma_start3A_131 : memref<125xi32, #tpu.memory_space<vmem>>) semaphore(%arg8 : memref<!tpu.dma_semaphore, #tpu.memory_space<semaphore_mem>>) {add = true}
      %mul3A_134 = arith.constant 8 : i32
      %mul3A_135 = arith.muli %scan3A_67, %mul3A_134 : i32
      %add3A_136 = arith.constant 6 : i32
      %add3A_137 = arith.addi %mul3A_135, %add3A_136 : i32
      %dma_start3A_138 = arith.constant 0 : i32
      %dma_start3A_139 = tpu.memref_slice %arg5[%dma_start3A_138] : memref<128xf32, #tpu.memory_space<vmem>> -> memref<125xf32, #tpu.memory_space<vmem>>
      %dma_start3A_140 = arith.constant 0 : i32
      %dma_start3A_141 = tpu.memref_slice %arg4[%add3A_137, %dma_start3A_140] : memref<40x125xi32, #tpu.memory_space<vmem>> -> memref<1x125xi32, #tpu.memory_space<vmem>>
      %dma_start3A_142 = tpu.memref_squeeze %dma_start3A_141 : memref<1x125xi32, #tpu.memory_space<vmem>> -> memref<125xi32, #tpu.memory_space<vmem>>
      %dma_start3A_143 = arith.constant 0 : i32
      %dma_start3A_144 = tpu.memref_slice %arg7[%dma_start3A_143] : memref<10240xf32, #tpu.memory_space<vmem_shared>> -> memref<10240xf32, #tpu.memory_space<vmem_shared>>
      tpu.enqueue_indirect_dma source(%dma_start3A_139 : memref<125xf32, #tpu.memory_space<vmem>>) target(%dma_start3A_144 : memref<10240xf32, #tpu.memory_space<vmem_shared>>) offsets(%dma_start3A_142 : memref<125xi32, #tpu.memory_space<vmem>>) semaphore(%arg8 : memref<!tpu.dma_semaphore, #tpu.memory_space<semaphore_mem>>) {add = true}
      %mul3A_145 = arith.constant 8 : i32
      %mul3A_146 = arith.muli %scan3A_67, %mul3A_145 : i32
      %add3A_147 = arith.constant 7 : i32
      %add3A_148 = arith.addi %mul3A_146, %add3A_147 : i32
      %dma_start3A_149 = arith.constant 0 : i32
      %dma_start3A_150 = tpu.memref_slice %arg5[%dma_start3A_149] : memref<128xf32, #tpu.memory_space<vmem>> -> memref<125xf32, #tpu.memory_space<vmem>>
      %dma_start3A_151 = arith.constant 0 : i32
      %dma_start3A_152 = tpu.memref_slice %arg4[%add3A_148, %dma_start3A_151] : memref<40x125xi32, #tpu.memory_space<vmem>> -> memref<1x125xi32, #tpu.memory_space<vmem>>
      %dma_start3A_153 = tpu.memref_squeeze %dma_start3A_152 : memref<1x125xi32, #tpu.memory_space<vmem>> -> memref<125xi32, #tpu.memory_space<vmem>>
      %dma_start3A_154 = arith.constant 0 : i32
      %dma_start3A_155 = tpu.memref_slice %arg7[%dma_start3A_154] : memref<10240xf32, #tpu.memory_space<vmem_shared>> -> memref<10240xf32, #tpu.memory_space<vmem_shared>>
      tpu.enqueue_indirect_dma source(%dma_start3A_150 : memref<125xf32, #tpu.memory_space<vmem>>) target(%dma_start3A_155 : memref<10240xf32, #tpu.memory_space<vmem_shared>>) offsets(%dma_start3A_153 : memref<125xi32, #tpu.memory_space<vmem>>) semaphore(%arg8 : memref<!tpu.dma_semaphore, #tpu.memory_space<semaphore_mem>>) {add = true}
      %mul3A_156 = arith.constant 8 : i32
      %mul3A_157 = arith.muli %scan3A_67, %mul3A_156 : i32
      %add3A_158 = arith.constant 0 : i32
      %add3A_159 = arith.addi %mul3A_157, %add3A_158 : i32
      %dma_wait3A = arith.constant 0 : i32
      %dma_wait3A_160 = tpu.memref_slice %arg5[%dma_wait3A] : memref<128xf32, #tpu.memory_space<vmem>> -> memref<125xf32, #tpu.memory_space<vmem>>
      %dma_wait3A_161 = arith.constant 0 : i32
      %dma_wait3A_162 = tpu.memref_slice %arg4[%add3A_159, %dma_wait3A_161] : memref<40x125xi32, #tpu.memory_space<vmem>> -> memref<1x125xi32, #tpu.memory_space<vmem>>
      %dma_wait3A_163 = tpu.memref_squeeze %dma_wait3A_162 : memref<1x125xi32, #tpu.memory_space<vmem>> -> memref<125xi32, #tpu.memory_space<vmem>>
      %dma_wait3A_164 = arith.constant 0 : i32
      %dma_wait3A_165 = tpu.memref_slice %arg7[%dma_wait3A_164] : memref<10240xf32, #tpu.memory_space<vmem_shared>> -> memref<10240xf32, #tpu.memory_space<vmem_shared>>
      tpu.wait_indirect_dma semaphore(%arg8 : memref<!tpu.dma_semaphore, #tpu.memory_space<semaphore_mem>>) src(%dma_wait3A_160 : memref<125xf32, #tpu.memory_space<vmem>>) dst(%dma_wait3A_165 : memref<10240xf32, #tpu.memory_space<vmem_shared>>)
      %mul3A_166 = arith.constant 8 : i32
      %mul3A_167 = arith.muli %scan3A_67, %mul3A_166 : i32
      %add3A_168 = arith.constant 1 : i32
      %add3A_169 = arith.addi %mul3A_167, %add3A_168 : i32
      %dma_wait3A_170 = arith.constant 0 : i32
      %dma_wait3A_171 = tpu.memref_slice %arg5[%dma_wait3A_170] : memref<128xf32, #tpu.memory_space<vmem>> -> memref<125xf32, #tpu.memory_space<vmem>>
      %dma_wait3A_172 = arith.constant 0 : i32
      %dma_wait3A_173 = tpu.memref_slice %arg4[%add3A_169, %dma_wait3A_172] : memref<40x125xi32, #tpu.memory_space<vmem>> -> memref<1x125xi32, #tpu.memory_space<vmem>>
      %dma_wait3A_174 = tpu.memref_squeeze %dma_wait3A_173 : memref<1x125xi32, #tpu.memory_space<vmem>> -> memref<125xi32, #tpu.memory_space<vmem>>
      %dma_wait3A_175 = arith.constant 0 : i32
      %dma_wait3A_176 = tpu.memref_slice %arg7[%dma_wait3A_175] : memref<10240xf32, #tpu.memory_space<vmem_shared>> -> memref<10240xf32, #tpu.memory_space<vmem_shared>>
      tpu.wait_indirect_dma semaphore(%arg8 : memref<!tpu.dma_semaphore, #tpu.memory_space<semaphore_mem>>) src(%dma_wait3A_171 : memref<125xf32, #tpu.memory_space<vmem>>) dst(%dma_wait3A_176 : memref<10240xf32, #tpu.memory_space<vmem_shared>>)
      %mul3A_177 = arith.constant 8 : i32
      %mul3A_178 = arith.muli %scan3A_67, %mul3A_177 : i32
      %add3A_179 = arith.constant 2 : i32
      %add3A_180 = arith.addi %mul3A_178, %add3A_179 : i32
      %dma_wait3A_181 = arith.constant 0 : i32
      %dma_wait3A_182 = tpu.memref_slice %arg5[%dma_wait3A_181] : memref<128xf32, #tpu.memory_space<vmem>> -> memref<125xf32, #tpu.memory_space<vmem>>
      %dma_wait3A_183 = arith.constant 0 : i32
      %dma_wait3A_184 = tpu.memref_slice %arg4[%add3A_180, %dma_wait3A_183] : memref<40x125xi32, #tpu.memory_space<vmem>> -> memref<1x125xi32, #tpu.memory_space<vmem>>
      %dma_wait3A_185 = tpu.memref_squeeze %dma_wait3A_184 : memref<1x125xi32, #tpu.memory_space<vmem>> -> memref<125xi32, #tpu.memory_space<vmem>>
      %dma_wait3A_186 = arith.constant 0 : i32
      %dma_wait3A_187 = tpu.memref_slice %arg7[%dma_wait3A_186] : memref<10240xf32, #tpu.memory_space<vmem_shared>> -> memref<10240xf32, #tpu.memory_space<vmem_shared>>
      tpu.wait_indirect_dma semaphore(%arg8 : memref<!tpu.dma_semaphore, #tpu.memory_space<semaphore_mem>>) src(%dma_wait3A_182 : memref<125xf32, #tpu.memory_space<vmem>>) dst(%dma_wait3A_187 : memref<10240xf32, #tpu.memory_space<vmem_shared>>)
      %mul3A_188 = arith.constant 8 : i32
      %mul3A_189 = arith.muli %scan3A_67, %mul3A_188 : i32
      %add3A_190 = arith.constant 3 : i32
      %add3A_191 = arith.addi %mul3A_189, %add3A_190 : i32
      %dma_wait3A_192 = arith.constant 0 : i32
      %dma_wait3A_193 = tpu.memref_slice %arg5[%dma_wait3A_192] : memref<128xf32, #tpu.memory_space<vmem>> -> memref<125xf32, #tpu.memory_space<vmem>>
      %dma_wait3A_194 = arith.constant 0 : i32
      %dma_wait3A_195 = tpu.memref_slice %arg4[%add3A_191, %dma_wait3A_194] : memref<40x125xi32, #tpu.memory_space<vmem>> -> memref<1x125xi32, #tpu.memory_space<vmem>>
      %dma_wait3A_196 = tpu.memref_squeeze %dma_wait3A_195 : memref<1x125xi32, #tpu.memory_space<vmem>> -> memref<125xi32, #tpu.memory_space<vmem>>
      %dma_wait3A_197 = arith.constant 0 : i32
      %dma_wait3A_198 = tpu.memref_slice %arg7[%dma_wait3A_197] : memref<10240xf32, #tpu.memory_space<vmem_shared>> -> memref<10240xf32, #tpu.memory_space<vmem_shared>>
      tpu.wait_indirect_dma semaphore(%arg8 : memref<!tpu.dma_semaphore, #tpu.memory_space<semaphore_mem>>) src(%dma_wait3A_193 : memref<125xf32, #tpu.memory_space<vmem>>) dst(%dma_wait3A_198 : memref<10240xf32, #tpu.memory_space<vmem_shared>>)
      %mul3A_199 = arith.constant 8 : i32
      %mul3A_200 = arith.muli %scan3A_67, %mul3A_199 : i32
      %add3A_201 = arith.constant 4 : i32
      %add3A_202 = arith.addi %mul3A_200, %add3A_201 : i32
      %dma_wait3A_203 = arith.constant 0 : i32
      %dma_wait3A_204 = tpu.memref_slice %arg5[%dma_wait3A_203] : memref<128xf32, #tpu.memory_space<vmem>> -> memref<125xf32, #tpu.memory_space<vmem>>
      %dma_wait3A_205 = arith.constant 0 : i32
      %dma_wait3A_206 = tpu.memref_slice %arg4[%add3A_202, %dma_wait3A_205] : memref<40x125xi32, #tpu.memory_space<vmem>> -> memref<1x125xi32, #tpu.memory_space<vmem>>
      %dma_wait3A_207 = tpu.memref_squeeze %dma_wait3A_206 : memref<1x125xi32, #tpu.memory_space<vmem>> -> memref<125xi32, #tpu.memory_space<vmem>>
      %dma_wait3A_208 = arith.constant 0 : i32
      %dma_wait3A_209 = tpu.memref_slice %arg7[%dma_wait3A_208] : memref<10240xf32, #tpu.memory_space<vmem_shared>> -> memref<10240xf32, #tpu.memory_space<vmem_shared>>
      tpu.wait_indirect_dma semaphore(%arg8 : memref<!tpu.dma_semaphore, #tpu.memory_space<semaphore_mem>>) src(%dma_wait3A_204 : memref<125xf32, #tpu.memory_space<vmem>>) dst(%dma_wait3A_209 : memref<10240xf32, #tpu.memory_space<vmem_shared>>)
      %mul3A_210 = arith.constant 8 : i32
      %mul3A_211 = arith.muli %scan3A_67, %mul3A_210 : i32
      %add3A_212 = arith.constant 5 : i32
      %add3A_213 = arith.addi %mul3A_211, %add3A_212 : i32
      %dma_wait3A_214 = arith.constant 0 : i32
      %dma_wait3A_215 = tpu.memref_slice %arg5[%dma_wait3A_214] : memref<128xf32, #tpu.memory_space<vmem>> -> memref<125xf32, #tpu.memory_space<vmem>>
      %dma_wait3A_216 = arith.constant 0 : i32
      %dma_wait3A_217 = tpu.memref_slice %arg4[%add3A_213, %dma_wait3A_216] : memref<40x125xi32, #tpu.memory_space<vmem>> -> memref<1x125xi32, #tpu.memory_space<vmem>>
      %dma_wait3A_218 = tpu.memref_squeeze %dma_wait3A_217 : memref<1x125xi32, #tpu.memory_space<vmem>> -> memref<125xi32, #tpu.memory_space<vmem>>
      %dma_wait3A_219 = arith.constant 0 : i32
      %dma_wait3A_220 = tpu.memref_slice %arg7[%dma_wait3A_219] : memref<10240xf32, #tpu.memory_space<vmem_shared>> -> memref<10240xf32, #tpu.memory_space<vmem_shared>>
      tpu.wait_indirect_dma semaphore(%arg8 : memref<!tpu.dma_semaphore, #tpu.memory_space<semaphore_mem>>) src(%dma_wait3A_215 : memref<125xf32, #tpu.memory_space<vmem>>) dst(%dma_wait3A_220 : memref<10240xf32, #tpu.memory_space<vmem_shared>>)
      %mul3A_221 = arith.constant 8 : i32
      %mul3A_222 = arith.muli %scan3A_67, %mul3A_221 : i32
      %add3A_223 = arith.constant 6 : i32
      %add3A_224 = arith.addi %mul3A_222, %add3A_223 : i32
      %dma_wait3A_225 = arith.constant 0 : i32
      %dma_wait3A_226 = tpu.memref_slice %arg5[%dma_wait3A_225] : memref<128xf32, #tpu.memory_space<vmem>> -> memref<125xf32, #tpu.memory_space<vmem>>
      %dma_wait3A_227 = arith.constant 0 : i32
      %dma_wait3A_228 = tpu.memref_slice %arg4[%add3A_224, %dma_wait3A_227] : memref<40x125xi32, #tpu.memory_space<vmem>> -> memref<1x125xi32, #tpu.memory_space<vmem>>
      %dma_wait3A_229 = tpu.memref_squeeze %dma_wait3A_228 : memref<1x125xi32, #tpu.memory_space<vmem>> -> memref<125xi32, #tpu.memory_space<vmem>>
      %dma_wait3A_230 = arith.constant 0 : i32
      %dma_wait3A_231 = tpu.memref_slice %arg7[%dma_wait3A_230] : memref<10240xf32, #tpu.memory_space<vmem_shared>> -> memref<10240xf32, #tpu.memory_space<vmem_shared>>
      tpu.wait_indirect_dma semaphore(%arg8 : memref<!tpu.dma_semaphore, #tpu.memory_space<semaphore_mem>>) src(%dma_wait3A_226 : memref<125xf32, #tpu.memory_space<vmem>>) dst(%dma_wait3A_231 : memref<10240xf32, #tpu.memory_space<vmem_shared>>)
      %mul3A_232 = arith.constant 8 : i32
      %mul3A_233 = arith.muli %scan3A_67, %mul3A_232 : i32
      %add3A_234 = arith.constant 7 : i32
      %add3A_235 = arith.addi %mul3A_233, %add3A_234 : i32
      %dma_wait3A_236 = arith.constant 0 : i32
      %dma_wait3A_237 = tpu.memref_slice %arg5[%dma_wait3A_236] : memref<128xf32, #tpu.memory_space<vmem>> -> memref<125xf32, #tpu.memory_space<vmem>>
      %dma_wait3A_238 = arith.constant 0 : i32
      %dma_wait3A_239 = tpu.memref_slice %arg4[%add3A_235, %dma_wait3A_238] : memref<40x125xi32, #tpu.memory_space<vmem>> -> memref<1x125xi32, #tpu.memory_space<vmem>>
      %dma_wait3A_240 = tpu.memref_squeeze %dma_wait3A_239 : memref<1x125xi32, #tpu.memory_space<vmem>> -> memref<125xi32, #tpu.memory_space<vmem>>
      %dma_wait3A_241 = arith.constant 0 : i32
      %dma_wait3A_242 = tpu.memref_slice %arg7[%dma_wait3A_241] : memref<10240xf32, #tpu.memory_space<vmem_shared>> -> memref<10240xf32, #tpu.memory_space<vmem_shared>>
      tpu.wait_indirect_dma semaphore(%arg8 : memref<!tpu.dma_semaphore, #tpu.memory_space<semaphore_mem>>) src(%dma_wait3A_237 : memref<125xf32, #tpu.memory_space<vmem>>) dst(%dma_wait3A_242 : memref<10240xf32, #tpu.memory_space<vmem_shared>>)
      %scan3A_243 = arith.constant 0 : i32
      scf.yield %scan3A_243 : i32
    }
    %scan3A_61 = arith.constant 5 : i32
    %barrier3A_62 = arith.constant 0 : index
    tpu.barrier barrier_id(%barrier3A_62)
    %mul3A_63 = arith.constant 640 : i32
    %mul3A_64 = arith.muli %arg1, %mul3A_63 : i32
    %mul3A_65 = arith.constant 640 : i32
    %mul3A_66 = arith.muli %arg1, %mul3A_65 : i32
    "tpu.region"() ({
      %run_scoped3A = tpu.sem_alloc : memref<!tpu.dma_semaphore, #tpu.memory_space<semaphore_mem>>
      %dma_start3A = tpu.memref_slice %arg3[%arg0, %mul3A_66] : memref<2x10240xf32, #tpu.memory_space<hbm>> -> memref<1x640xf32, #tpu.memory_space<hbm>>
      %dma_start3A_67 = tpu.memref_squeeze %dma_start3A : memref<1x640xf32, #tpu.memory_space<hbm>> -> memref<640xf32, #tpu.memory_space<hbm>>
      %dma_start3A_68 = tpu.memref_slice %arg7[%mul3A_64] : memref<10240xf32, #tpu.memory_space<vmem_shared>> -> memref<640xf32, #tpu.memory_space<vmem_shared>>
      tpu.enqueue_dma source(%dma_start3A_68 : memref<640xf32, #tpu.memory_space<vmem_shared>>) target(%dma_start3A_67 : memref<640xf32, #tpu.memory_space<hbm>>) target_semaphore(%run_scoped3A : memref<!tpu.dma_semaphore, #tpu.memory_space<semaphore_mem>>)
      %dma_wait3A = tpu.memref_slice %arg3[%arg0, %mul3A_66] : memref<2x10240xf32, #tpu.memory_space<hbm>> -> memref<1x640xf32, #tpu.memory_space<hbm>>
      %dma_wait3A_69 = tpu.memref_squeeze %dma_wait3A : memref<1x640xf32, #tpu.memory_space<hbm>> -> memref<640xf32, #tpu.memory_space<hbm>>
      %dma_wait3A_70 = tpu.memref_slice %arg7[%mul3A_64] : memref<10240xf32, #tpu.memory_space<vmem_shared>> -> memref<640xf32, #tpu.memory_space<vmem_shared>>
      tpu.wait_dma2 semaphore(%run_scoped3A : memref<!tpu.dma_semaphore, #tpu.memory_space<semaphore_mem>>) src(%dma_wait3A_70 : memref<640xf32, #tpu.memory_space<vmem_shared>>) dst(%dma_wait3A_69 : memref<640xf32, #tpu.memory_space<hbm>>)
      tpu.yield
    }) : () -> ()
    return
  }
}

module attributes {stable_mosaic.version = 14 : i64} {
  func.func @_scale_body(%arg0: i32, %arg1: memref<2000x2xf32, #tpu.memory_space<vmem>>, %arg2: memref<2000x256xf32, #tpu.memory_space<vmem>>, %arg3: memref<2x2000x128xf32, #tpu.memory_space<vmem>>) attributes {dimension_semantics = [#tpu.dimension_semantics<arbitrary>], iteration_bounds = array<i64: 5>, scalar_prefetch = 0 : i64, scratch_operands = 0 : i64, tpu.core_type = #tpu.core_type<tc>, window_params = [{transform_indices = @transform_0, window_bounds = array<i64: 2000, 2>}, {transform_indices = @transform_1, window_bounds = array<i64: 2000, 256>}, {transform_indices = @transform_2, window_bounds = array<i64: 2, 2000, 128>}]} {
    %get3A = arith.constant 0 : index
    %get3A_0 = arith.constant 0 : index
    %get3A_1 = vector.load %arg1[%get3A, %get3A_0] : memref<2000x2xf32, #tpu.memory_space<vmem>>, vector<2000x1xf32>
    %get3A_2 = arith.constant 0 : index
    %get3A_3 = arith.constant 1 : index
    %get3A_4 = vector.load %arg1[%get3A_2, %get3A_3] : memref<2000x2xf32, #tpu.memory_space<vmem>>, vector<2000x1xf32>
    %add3A = arith.addf %get3A_1, %get3A_4 : vector<2000x1xf32>
    %rsqrt3A = math.rsqrt %add3A : vector<2000x1xf32>
    %get3A_5 = arith.constant 0 : index
    %get3A_6 = arith.constant 0 : index
    %get3A_7 = vector.load %arg2[%get3A_5, %get3A_6] : memref<2000x256xf32, #tpu.memory_space<vmem>>, vector<2000x256xf32>
    %mul3A = vector.broadcast %rsqrt3A : vector<2000x1xf32> to vector<2000x256xf32>
    %mul3A_8 = arith.mulf %get3A_7, %mul3A : vector<2000x256xf32>
    %slice3A = vector.extract_strided_slice %mul3A_8 {offsets = [0, 0], sizes = [2000, 128], strides = [1, 1]} : vector<2000x256xf32> to vector<2000x128xf32>
    %swap3A = arith.constant 0 : index
    %swap3A_9 = arith.constant 0 : index
    %swap3A_10 = arith.constant 0 : index
    %swap3A_11 = vector.load %arg3[%swap3A, %swap3A_9, %swap3A_10] : memref<2x2000x128xf32, #tpu.memory_space<vmem>>, vector<1x2000x128xf32>
    %swap3A_12 = vector.shape_cast %swap3A_11 : vector<1x2000x128xf32> to vector<2000x128xf32>
    %swap3A_13 = vector.shape_cast %slice3A : vector<2000x128xf32> to vector<1x2000x128xf32>
    tpu.vector_store %arg3[%swap3A, %swap3A_9, %swap3A_10], %swap3A_13 {strides = array<i32>} : memref<2x2000x128xf32, #tpu.memory_space<vmem>>, vector<1x2000x128xf32>,
    %slice3A_14 = vector.extract_strided_slice %mul3A_8 {offsets = [0, 128], sizes = [2000, 128], strides = [1, 1]} : vector<2000x256xf32> to vector<2000x128xf32>
    %swap3A_15 = arith.constant 1 : index
    %swap3A_16 = arith.constant 0 : index
    %swap3A_17 = arith.constant 0 : index
    %swap3A_18 = vector.load %arg3[%swap3A_15, %swap3A_16, %swap3A_17] : memref<2x2000x128xf32, #tpu.memory_space<vmem>>, vector<1x2000x128xf32>
    %swap3A_19 = vector.shape_cast %swap3A_18 : vector<1x2000x128xf32> to vector<2000x128xf32>
    %swap3A_20 = vector.shape_cast %slice3A_14 : vector<2000x128xf32> to vector<1x2000x128xf32>
    tpu.vector_store %arg3[%swap3A_15, %swap3A_16, %swap3A_17], %swap3A_20 {strides = array<i32>} : memref<2x2000x128xf32, #tpu.memory_space<vmem>>, vector<1x2000x128xf32>,
    return
  }
  func.func @transform_0(%arg0: i32) -> (i32, i32) {
    %c0_i32 = arith.constant 0 : i32
    %c0_i32_0 = arith.constant 0 : i32
    return %arg0, %c0_i32 : i32, i32
  }
  func.func @transform_1(%arg0: i32) -> (i32, i32) {
    %c0_i32 = arith.constant 0 : i32
    %c0_i32_0 = arith.constant 0 : i32
    return %arg0, %c0_i32 : i32, i32
  }
  func.func @transform_2(%arg0: i32) -> (i32, i32, i32) {
    %c0_i32 = arith.constant 0 : i32
    %c0_i32_0 = arith.constant 0 : i32
    %c0_i32_1 = arith.constant 0 : i32
    return %c0_i32, %arg0, %c0_i32_0 : i32, i32, i32
  }
}

module attributes {stable_mosaic.version = 14 : i64} {
  func.func @_comb_body(%arg0: i32, %arg1: memref<2000x2xf32, #tpu.memory_space<vmem>>, %arg2: memref<2000x256xf32, #tpu.memory_space<vmem>>, %arg3: memref<2x2000x128xf32, #tpu.memory_space<vmem>>, %arg4: memref<256x256xf32, #tpu.memory_space<vmem>>, %arg5: memref<1x256xf32, #tpu.memory_space<vmem>>, %arg6: memref<1x1xf32, #tpu.memory_space<vmem>>, %arg7: memref<2000x256xf32, #tpu.memory_space<vmem>>) attributes {dimension_semantics = [#tpu.dimension_semantics<arbitrary>], iteration_bounds = array<i64: 5>, scalar_prefetch = 0 : i64, scratch_operands = 0 : i64, tpu.core_type = #tpu.core_type<tc>, window_params = [{transform_indices = @transform_0, window_bounds = array<i64: 2000, 2>}, {transform_indices = @transform_1, window_bounds = array<i64: 2000, 256>}, {transform_indices = @transform_2, window_bounds = array<i64: 2, 2000, 128>}, {pipeline_mode = #tpu.pipeline_mode<synchronous>, transform_indices = @transform_3, window_bounds = array<i64: 256, 256>}, {pipeline_mode = #tpu.pipeline_mode<synchronous>, transform_indices = @transform_4, window_bounds = array<i64: 1, 256>}, {pipeline_mode = #tpu.pipeline_mode<synchronous>, transform_indices = @transform_5, window_bounds = array<i64: 1, 1>}, {transform_indices = @transform_6, window_bounds = array<i64: 2000, 256>}]} {
    %get3A = arith.constant 0 : index
    %get3A_0 = arith.constant 0 : index
    %get3A_1 = vector.load %arg1[%get3A, %get3A_0] : memref<2000x2xf32, #tpu.memory_space<vmem>>, vector<2000x1xf32>
    %get3A_2 = arith.constant 0 : index
    %get3A_3 = arith.constant 1 : index
    %get3A_4 = vector.load %arg1[%get3A_2, %get3A_3] : memref<2000x2xf32, #tpu.memory_space<vmem>>, vector<2000x1xf32>
    %add3A = arith.addf %get3A_1, %get3A_4 : vector<2000x1xf32>
    %gt3A = arith.constant 0.000000e+00 : f32
    %gt3A_5 = vector.broadcast %gt3A : f32 to vector<2000x1xf32>
    %gt3A_6 = arith.cmpf ogt, %add3A, %gt3A_5 : vector<2000x1xf32>
    %rsqrt3A = math.rsqrt %add3A : vector<2000x1xf32>
    %jit3A = arith.constant 0.000000e+00 : f32
    %broadcast_in_dim3A = vector.broadcast %jit3A : f32 to vector<2000x1xf32>
    %select_n3A = arith.select %gt3A_6, %rsqrt3A, %broadcast_in_dim3A : vector<2000x1xi1>, vector<2000x1xf32>
    %get3A_7 = arith.constant 0 : index
    %get3A_8 = arith.constant 0 : index
    %get3A_9 = arith.constant 0 : index
    %get3A_10 = vector.load %arg3[%get3A_7, %get3A_8, %get3A_9] : memref<2x2000x128xf32, #tpu.memory_space<vmem>>, vector<1x2000x128xf32>
    %get3A_11 = vector.shape_cast %get3A_10 : vector<1x2000x128xf32> to vector<2000x128xf32>
    %get3A_12 = arith.constant 1 : index
    %get3A_13 = arith.constant 0 : index
    %get3A_14 = arith.constant 0 : index
    %get3A_15 = vector.load %arg3[%get3A_12, %get3A_13, %get3A_14] : memref<2x2000x128xf32, #tpu.memory_space<vmem>>, vector<1x2000x128xf32>
    %get3A_16 = vector.shape_cast %get3A_15 : vector<1x2000x128xf32> to vector<2000x128xf32>
    %concatenate3A = tpu.concatenate %get3A_11, %get3A_16 in 1 : vector<2000x128xf32>, vector<2000x128xf32> -> vector<2000x256xf32>
    %mul3A = vector.broadcast %select_n3A : vector<2000x1xf32> to vector<2000x256xf32>
    %mul3A_17 = arith.mulf %concatenate3A, %mul3A : vector<2000x256xf32>
    %get3A_18 = arith.constant 0 : index
    %get3A_19 = arith.constant 0 : index
    %get3A_20 = vector.load %arg6[%get3A_18, %get3A_19] : memref<1x1xf32, #tpu.memory_space<vmem>>, vector<1x1xf32>
    %get3A_21 = vector.extract %get3A_20[0, 0] : f32 from vector<1x1xf32>
    %neg3A = arith.constant 0.000000e+00 : f32
    %neg3A_22 = arith.subf %neg3A, %get3A_21 : f32
    %exp3A = math.exp %neg3A_22 : f32
    %get3A_23 = arith.constant 0 : index
    %get3A_24 = arith.constant 0 : index
    %get3A_25 = vector.load %arg2[%get3A_23, %get3A_24] : memref<2000x256xf32, #tpu.memory_space<vmem>>, vector<2000x256xf32>
    %mul3A_26 = vector.broadcast %exp3A : f32 to vector<2000x256xf32>
    %mul3A_27 = arith.mulf %mul3A_26, %get3A_25 : vector<2000x256xf32>
    %mul3A_28 = arith.mulf %exp3A, %get3A_21 : f32
    %mul3A_29 = vector.broadcast %mul3A_28 : f32 to vector<2000x256xf32>
    %mul3A_30 = arith.mulf %mul3A_29, %mul3A_17 : vector<2000x256xf32>
    %add3A_31 = arith.addf %mul3A_27, %mul3A_30 : vector<2000x256xf32>
    %get3A_32 = arith.constant 0 : index
    %get3A_33 = arith.constant 0 : index
    %get3A_34 = vector.load %arg4[%get3A_32, %get3A_33] : memref<256x256xf32, #tpu.memory_space<vmem>>, vector<256x256xf32>
    %dot_general3A = arith.constant dense<0.000000e+00> : vector<2000x256xf32>
    %dot_general3A_35 = tpu.matmul %add3A_31, %get3A_34, %dot_general3A {dimension_numbers = #tpu.dot_dimension_numbers<[1], [1], [0], [0], [0, 0, 1, 0], [], []>, transpose_lhs_hint = false} : vector<2000x256xf32>, vector<256x256xf32>, vector<2000x256xf32> -> vector<2000x256xf32>
    %get3A_36 = arith.constant 0 : index
    %get3A_37 = arith.constant 0 : index
    %get3A_38 = vector.load %arg5[%get3A_36, %get3A_37] : memref<1x256xf32, #tpu.memory_space<vmem>>, vector<1x256xf32>
    %add3A_39 = vector.broadcast %get3A_38 : vector<1x256xf32> to vector<2000x256xf32>
    %add3A_40 = arith.addf %dot_general3A_35, %add3A_39 : vector<2000x256xf32>
    %swap3A = arith.constant 0 : index
    %swap3A_41 = arith.constant 0 : index
    %swap3A_42 = vector.load %arg7[%swap3A, %swap3A_41] : memref<2000x256xf32, #tpu.memory_space<vmem>>, vector<2000x256xf32>
    tpu.vector_store %arg7[%swap3A, %swap3A_41], %add3A_40 {strides = array<i32>} : memref<2000x256xf32, #tpu.memory_space<vmem>>, vector<2000x256xf32>,
    return
  }
  func.func @transform_0(%arg0: i32) -> (i32, i32) {
    %c0_i32 = arith.constant 0 : i32
    %c0_i32_0 = arith.constant 0 : i32
    return %arg0, %c0_i32 : i32, i32
  }
  func.func @transform_1(%arg0: i32) -> (i32, i32) {
    %c0_i32 = arith.constant 0 : i32
    %c0_i32_0 = arith.constant 0 : i32
    return %arg0, %c0_i32 : i32, i32
  }
  func.func @transform_2(%arg0: i32) -> (i32, i32, i32) {
    %c0_i32 = arith.constant 0 : i32
    %c0_i32_0 = arith.constant 0 : i32
    %c0_i32_1 = arith.constant 0 : i32
    return %c0_i32, %arg0, %c0_i32_0 : i32, i32, i32
  }
  func.func @transform_3(%arg0: i32) -> (i32, i32) {
    %c0_i32 = arith.constant 0 : i32
    %c0_i32_0 = arith.constant 0 : i32
    %c0_i32_1 = arith.constant 0 : i32
    return %c0_i32, %c0_i32_0 : i32, i32
  }
  func.func @transform_4(%arg0: i32) -> (i32, i32) {
    %c0_i32 = arith.constant 0 : i32
    %c0_i32_0 = arith.constant 0 : i32
    %c0_i32_1 = arith.constant 0 : i32
    return %c0_i32, %c0_i32_0 : i32, i32
  }
  func.func @transform_5(%arg0: i32) -> (i32, i32) {
    %c0_i32 = arith.constant 0 : i32
    %c0_i32_0 = arith.constant 0 : i32
    %c0_i32_1 = arith.constant 0 : i32
    return %c0_i32, %c0_i32_0 : i32, i32
  }
  func.func @transform_6(%arg0: i32) -> (i32, i32) {
    %c0_i32 = arith.constant 0 : i32
    %c0_i32_0 = arith.constant 0 : i32
    return %arg0, %c0_i32 : i32, i32
  }
}

</mosaic_0001>

<sc_bundles>
// kernel: kernel.6.cloned.1.call-start
scs
__scs_entry_jumppad:
0x0: {  	(pc) =	sbr.rel $0x88, $3  }
0x1: {  	(tag) =	ssettag $0x0;
	lr =	simm.s32 $0x1  }
0x2: {  	[smem:$0x3F9C] =	sst lr;
	_ =	strace $0xD0000000  }
0x3: {  	_ = 	snop  }
0x4: {  	_ = 	snop  }
0x5: {  	_ = 	snop  }
0x6: {  	_ = 	snop  }
0x7: {  	_ = 	snop  }
__scs_overlays_trampoline_lowered:
0x8: {  	[smem:$0x3FAB] =	sst s0  }
0x9: {  	[smem:$0x3FAC] =	sst s1  }
0xa: {  	[smem:$0x3FAD] =	sst s2  }
0xb: {  	[smem:$0x3FAE] =	sst s3  }
0xc: {  	[smem:$0x3FAF] =	sst s4  }
0xd: {  	[smem:$0x3FB0] =	sst s5  }
0xe: {  	[smem:$0x3FB1] =	sst s6  }
0xf: {  	[smem:$0x3FB2] =	sst s7  }
0x10: {  	[smem:$0x3FB3] =	sst s8  }
0x11: {  	[smem:$0x3FB4] =	sst s9;
	s0 =	simm.s32 @!p0 $0x0  }
0x12: {  	s1 =	sld [smem:$0x3F9A];
	s0 =	simm.s32 @p0 $0x1  }
0x13: {  	[smem:$0x3FB5] =	sst s0;
	s0 =	simm.s32 @!p1 $0x0  }
0x14: {  	s2 =	sld [smem:$0x3F99];
	s0 =	simm.s32 @p1 $0x1  }
0x15: {  	[smem:$0x3FB6] =	sst s0;
	s0 =	simm.s32 @!p2 $0x0  }
0x16: {  	s3 =	sld [smem:$0x3FDB];
	s0 =	simm.s32 @p2 $0x1  }
0x17: {  	s4 =	simm.s32 $0x1BF5;
	[smem:$0x3FB8] =	sst s0  }
0x18: {  	s0 =	sld [smem:$0x3F9B];
	_ =	swait.ge [sflag:s4], $0x0  }
0x19: {  	s7 =	sld [smem:$0x3F9C]  }
0x1a: {  	s8 =	sadd.s32 $0xFFFFE003, lr  }
0x1b: {  	s9 =	sadd.s32 $0xFFFFFEF7, lr;
	s5 =	simm.s32 $0xFFFFFFFF;
	p2 =	slt.u32 s8, $0xFFFFF086  }
0x1c: {  	p1 =	slt.u32 s9, $0xF7A;
	s5 =	simm.s32 @!p2 $0x0  }
0x1d: {  	s5 =	simm.s32 @p1 $0x1;
	p0 =	seq.s32 s7, s2  }
0x1e: {  	s7 =	smul.u32 @!p0 $0xF7A, s2;
	p2 =	seq.s32 @!p0 s5, $0x0  }
0x1f: {  	s9 =	smul.u32 $0xF7A, s1;
	s8 =	simm.s32 @!p0 $0x1BF5;
	p2 =	por !p2, p0  }
0x20: {  	[sflag:s8] =	ssyncset.s32 @!p0 $0xFFFFF086;
	s6 =	sadd.s32 @!p0 s3, s7;
	s7 =	simm.s32 @!p0 $0x108  }
0x21: {  	s3 =	sadd.s32 s3, s9;
	s6 =	sadd.s32 @!p0 $0x88, s6;
	s7 =	simm.s32 @p2 $0x1082  }
0x22: {  	[simem:s7], [sflag:s8] =	dma.local @!p0 [hbm:s6], $0xF7A  }
0x23: {  	s9 =	sor.u32 $0xD0000000, s2;
	s6 =	simm.s32 $0x108;
	_ =	swait.ge @!p0 [sflag:s8], $0x0  }
0x24: {  	s3 =	sadd.s32 $0x88, s3;
	s6 =	simm.s32 @!p1 $0x1082;
	[sflag:s4] =	ssyncset.s32 $0xFFFFF086  }
0x25: {  	[simem:s6], [sflag:s4] =	dma.local [hbm:s3], $0xF7A  }
0x26: {  	[smem:$0x3F9C] =	sst s1;
	(tag) =	ssettag s2;
	_ =	strace s9  }
0x27: {  	s1 =	sld [smem:$0x3FAC]  }
0x28: {  	s2 =	sld [smem:$0x3FAD]  }
0x29: {  	s4 =	sld [smem:$0x3FAF]  }
0x2a: {  	p0 =	seq.s32 s5, $0x0;
	s5 =	sld [smem:$0x3FB0]  }
0x2b: {  	s6 =	sld [smem:$0x3FB1]  }
0x2c: {  	s7 =	sld [smem:$0x3FB2]  }
0x2d: {  	s3 =	simm.s32 $0x108;
	s8 =	sld [smem:$0x3FB3]  }
0x2e: {  	s3 =	simm.s32 @!p0 $0x1082;
	s9 =	sld [smem:$0x3FB4]  }
0x2f: {  	lr =	sadd.s32 s0, s3;
	s0 =	sld [smem:$0x3FAB]  }
0x30: {  	s3 =	sld [smem:$0x3FAE]  }
0x31: {  	[smem:$0x3FB7] =	sst s10  }
0x32: {  	s10 =	sld [smem:$0x3FB5];
	_ =	sdelay $0x3  }
0x33: {  	p0 =	seq.s32 s10, $0x1;
	s10 =	sld [smem:$0x3FB7];
	_ =	sdelay $0x3  }
0x34: {  	[smem:$0x3FB7] =	sst s10  }
0x35: {  	s10 =	sld [smem:$0x3FB6];
	_ =	sdelay $0x3  }
0x36: {  	p1 =	seq.s32 s10, $0x1;
	s10 =	sld [smem:$0x3FB7];
	_ =	sdelay $0x3  }
0x37: {  	[smem:$0x3FB7] =	sst s10  }
0x38: {  	s10 =	sld [smem:$0x3FB8]  }
0x39: {  	_ = 	snop;
	(pc) =	sbr.ind lr, $3  }
0x3a: {  	_ = 	snop  }
0x3b: {  	_ = 	snop  }
0x3c: {  	p2 =	seq.s32 s10, $0x1;
	s10 =	sld [smem:$0x3FB7]  }
0x3d: {  	_ =	shalt  }
0x3e: {  	_ =	shalt  }
0x3f: {  	_ =	shalt  }
0x40: {  	_ =	shalt  }
0x41: {  	_ =	shalt  }
0x42: {  	_ =	shalt  }
0x43: {  	_ =	shalt  }
0x44: {  	_ =	shalt  }
0x45: {  	_ =	shalt  }
0x46: {  	_ =	shalt  }
0x47: {  	_ =	shalt  }
0x48: {  	_ =	shalt  }
0x49: {  	_ =	shalt  }
0x4a: {  	_ =	shalt  }
0x4b: {  	_ =	shalt  }
0x4c: {  	_ =	shalt  }
0x4d: {  	_ =	shalt  }
0x4e: {  	_ =	shalt  }
0x4f: {  	_ =	shalt  }
0x50: {  	_ =	shalt  }
0x51: {  	_ =	shalt  }
0x52: {  	_ =	shalt  }
0x53: {  	_ =	shalt  }
0x54: {  	_ =	shalt  }
0x55: {  	_ =	shalt  }
0x56: {  	_ =	shalt  }
0x57: {  	_ =	shalt  }
0x58: {  	_ =	shalt  }
0x59: {  	_ =	shalt  }
0x5a: {  	_ =	shalt  }
0x5b: {  	_ =	shalt  }
0x5c: {  	_ =	shalt  }
0x5d: {  	_ =	shalt  }
0x5e: {  	_ =	shalt  }
0x5f: {  	_ =	shalt  }
0x60: {  	_ =	shalt  }
0x61: {  	_ =	shalt  }
0x62: {  	_ =	shalt  }
0x63: {  	_ =	shalt  }
0x64: {  	_ =	shalt  }
0x65: {  	_ =	shalt  }
0x66: {  	_ =	shalt  }
0x67: {  	_ =	shalt  }
0x68: {  	_ =	shalt  }
0x69: {  	_ =	shalt  }
0x6a: {  	_ =	shalt  }
0x6b: {  	_ =	shalt  }
0x6c: {  	_ =	shalt  }
0x6d: {  	_ =	shalt  }
0x6e: {  	_ =	shalt  }
0x6f: {  	_ =	shalt  }
0x70: {  	_ =	shalt  }
0x71: {  	_ =	shalt  }
0x72: {  	_ =	shalt  }
0x73: {  	_ =	shalt  }
0x74: {  	_ =	shalt  }
0x75: {  	_ =	shalt  }
0x76: {  	_ =	shalt  }
0x77: {  	_ =	shalt  }
0x78: {  	_ =	shalt  }
0x79: {  	_ =	shalt  }
0x7a: {  	_ =	shalt  }
0x7b: {  	_ =	shalt  }
0x7c: {  	_ =	shalt  }
0x7d: {  	_ =	shalt  }
0x7e: {  	_ =	shalt  }
0x7f: {  	_ =	shalt  }
0x80: {  	_ =	shalt  }
0x81: {  	_ =	shalt  }
0x82: {  	_ =	shalt  }
0x83: {  	_ =	shalt  }
0x84: {  	_ =	shalt  }
0x85: {  	_ =	shalt  }
0x86: {  	_ =	shalt  }
0x87: {  	_ =	shalt  }
.Lfunc_end0:
.L_simem_size_0:
called_computation_lowered:
.L_overlay_start_0:
0x88: {  	s2 =	sld [smem:$0x3FD9]  }
0x89: {  	s3 =	sld [smem:$0x3FFE];
	_ =	sdelay $0x1  }
0x8a: {  	s1 =	srdreg.scid  }
0x8b: {  	s0 =	sand.u32 $0x1, s1  }
0x8c: {  	s16 =	sshll.u32 s0, $0xA;
	s2 =	sadd.s32 s3, s2  }
0x8d: {  	s2 =	sadd.s32 s2, s16  }
0x8e: {  	[smem:$0x3FC3] =	sst s2  }
0x8f: {  	_ = 	snop  }
0x90: {  	(tm) =	ssettm $0x1  }
0x91: {  	s17 =	sld [smem:$0x3FFB];
	_ =	sdelay $0x3  }
0x92: {  	_ =	strace s17  }
0x93: {  	s2 =	sld [smem:$0x3FFC];
	_ =	sdelay $0x3  }
0x94: {  	_ =	strace s2  }
0x95: {  	s2 =	sld [smem:$0x3FFD];
	_ =	sdelay $0x3  }
0x96: {  	_ =	strace s2  }
0x97: {  	_ =	strace $0x8FFFFFFF  }
0x98: {  	s18 =	sld [smem:$0x3FDB];
	_ =	sdelay $0x1  }
0x99: {  	s19 =	simm.s32 $_scs_section_size  }
0x9a: {  	s4 =	simm.s32 $_size__tile_overlayer_lowered;
	s5 =	simm.s32 $_tile_overlayer_lowered  }
0x9b: {  	s22 =	simm.s32 $0x1BFF;
	s21 =	sshll.u32 s5, $0x1;
	s2 =	sadd.s32 s19, s18  }
0x9c: {  	s6 =	simm.s32 $0x0;
	s20 =	sshll.u32 s4, $0x1;
	s4 =	sadd.s32 s21, s2  }
0x9d: {  	[timem:s6], [sflag:s22] =	dma.local [hbm:s4], s20  }
0x9e: {  	_ =	swait.ge [sflag:s22], s20  }
0x9f: {  	s3 =	ssub.s32 $0x0, s20;
	[sflag:s22] =	ssyncset.done $0x0  }
0xa0: {  	[sflag:s22] =	ssyncadd.s32 s3;
	_ =	sdelay $0x1  }
0xa1: {  	s23 =	simm.s32 $0x1B8B  }
0xa2: {  	_ =	swait.ge [sflag:s23], $0x1  }
0xa3: {  	[sflag:s23] =	ssyncset.done $0x0  }
0xa4: {  	s25 =	simm.s32 $0x1B8E;
	s24 =	sld [smem:$0x3FFE];
	[sflag:s23] =	ssyncadd.s32 $0xFFFFFFFF  }
0xa5: {  	s26 =	simm.s32 $execute0_lowered;
	[smem:$0x3FD2] =	sst s25  }
0xa6: {  	s4 =	sshll.u32 s26, $0x1;
	_ =	strace $0x80000046;
	[dreg:$0x1] =	wrdreg $0xFFFFFFFF  }
0xa7: {  	s28 =	simm.s32 $_size_execute0_lowered;
	s2 =	sadd.s32 s2, s4;
	[dreg:$0x0] =	wrdreg $0x0  }
0xa8: {  	s4 =	sshll.u32 s28, $0x1;
	[dreg:$0x2] =	wrdreg s2  }
0xa9: {  	[dreg:$0x3] =	wrdreg s4  }
0xaa: {  	[dreg:$0x4] =	wrdreg $0xC0  }
0xab: {  	_ =	task [dreg:s6], $0x5FFFF  }
0xac: {  	[dreg:$0x1] =	wrdreg $0xFFFFFFFF  }
0xad: {  	[dreg:$0x0] =	wrdreg $0x60  }
0xae: {  	[dreg:$0x2] =	wrdreg s24  }
0xaf: {  	[dreg:$0x3] =	wrdreg $0x17000  }
0xb0: {  	[dreg:$0x4] =	wrdreg $0x9  }
0xb1: {  	_ =	task.clear_ibuf [dreg:s6], $0x5FFFF;
	_ =	strace $0x90000046  }
0xb2: {  	s29 =	simm.s32 $0x9;
	_ =	strace $0x80000048  }
0xb3: {  	_ =	swait.ge [sflag:s29], $0x1  }
0xb4: {  	[sflag:s29] =	ssyncadd.s32 $0xFFFFFFFF  }
0xb5: {  	_ =	strace $0x90000048  }
0xb6: {  	_ =	sfence  }
0xb7: {  	s30 =	sld [smem:$0x0];
	_ =	sdelay $0x2  }
0xb8: {  	s31 =	sshll.u32 s1, $0xD;
	s1 =	sshrl.u32 s1, $0x2  }
0xb9: {  	s3 =	sand.u32 $0x4000, s31;
	s1 =	sadd.s32 s1, s30  }
0xba: {  	s0 =	sor.u32 s3, s0;
	s1 =	sshll.u32 s1, $0x11  }
0xbb: {  	s0 =	sor.u32 s1, s0  }
0xbc: {  	s0 =	sadd.s32 $0x8F2B, s0  }
0xbd: {  	[sflag:s0] =	ssyncadd.remote.s32 $0x1  }
0xbe: {  	_ =	sfence.sel $0xFFFF  }
0xbf: {  	[dreg:$0x0] =	wrdreg $0xFFFFFFFF;
	(pc) =	sbr.abs _section_cstart, $3  }
0xc0: {  	[dreg:$0x1] =	wrdreg $0xFFFFFFFF  }
0xc1: {  	_ =	task.clear_ibuf [dreg:s6], $0x2FFFF;
	_ =	strace $0x9FFFFFFF  }
0xc2: {  	(tm) =	ssettm $0x7FFFFFFF  }
0xc3: {  	_ =	shalt  }
tec
execute0_lowered:
.L_overlay_start_1:
0x0: {  	(tag) =	ssettag $0x1  }
0x1: {  	s4 =	rddreg [dreg:$0x0];
	s2 =	simm.s32 $0x0  }
0x2: {  	v0 =	vimm.f32 $1.000000000e+00;
	[smem:$0x7FF] =	sst s2  }
0x3: {  	s1 =	rddreg [dreg:$0x1];
	v1 =	vimm.f32 $0.0e+00;
	_ =	strace $0x80000047;
	[tilespmem:$0x1400] =	vst v0  }
0x4: {  	[tilespmem:$0x16F0] =	vst v1  }
0x5: {  	[tilespmem:$0x16E0] =	vst v1  }
0x6: {  	[tilespmem:$0x16D0] =	vst v1  }
0x7: {  	[tilespmem:$0x16C0] =	vst v1  }
0x8: {  	[tilespmem:$0x16B0] =	vst v1  }
0x9: {  	[tilespmem:$0x16A0] =	vst v1  }
0xa: {  	[tilespmem:$0x1690] =	vst v1  }
0xb: {  	[tilespmem:$0x1680] =	vst v1  }
0xc: {  	[tilespmem:$0x1670] =	vst v1  }
0xd: {  	[tilespmem:$0x1660] =	vst v1  }
0xe: {  	[tilespmem:$0x1650] =	vst v1  }
0xf: {  	[tilespmem:$0x1640] =	vst v1  }
0x10: {  	[tilespmem:$0x1630] =	vst v1  }
0x11: {  	[tilespmem:$0x1620] =	vst v1  }
0x12: {  	[tilespmem:$0x1610] =	vst v1  }
0x13: {  	[tilespmem:$0x1600] =	vst v1  }
0x14: {  	[tilespmem:$0x15F0] =	vst v1  }
0x15: {  	[tilespmem:$0x15E0] =	vst v1  }
0x16: {  	[tilespmem:$0x15D0] =	vst v1  }
0x17: {  	s20 =	simm.s32 $0x1480;
	[tilespmem:$0x15C0] =	vst v1  }
0x18: {  	s21 =	simm.s32 $0x80;
	[tilespmem:$0x15B0] =	vst v1;
	[dreg:$0x5] =	wrdreg s20  }
0x19: {  	s22 =	simm.s32 $0x100;
	[tilespmem:$0x15A0] =	vst v1;
	[dreg:$0x6] =	wrdreg s21  }
0x1a: {  	s23 =	simm.s32 $0x180;
	[tilespmem:$0x1590] =	vst v1;
	[dreg:$0x7] =	wrdreg s22  }
0x1b: {  	s24 =	simm.s32 $0x200;
	[tilespmem:$0x1580] =	vst v1;
	[dreg:$0x8] =	wrdreg s23  }
0x1c: {  	s26 =	simm.s32 $0x280;
	[tilespmem:$0x1570] =	vst v1;
	[dreg:$0x9] =	wrdreg s24  }
0x1d: {  	s31 =	simm.s32 $0x300;
	[tilespmem:$0x1560] =	vst v1;
	[dreg:$0xa] =	wrdreg s26  }
0x1e: {  	s0 =	simm.s32 $0x380;
	[tilespmem:$0x1550] =	vst v1;
	[dreg:$0xb] =	wrdreg s31  }
0x1f: {  	s8 =	simm.s32 $0x580;
	[tilespmem:$0x1540] =	vst v1;
	[dreg:$0xc] =	wrdreg s0  }
0x20: {  	s9 =	simm.s32 $0x600;
	[tilespmem:$0x1530] =	vst v1;
	[dreg:$0x10] =	wrdreg s8  }
0x21: {  	s10 =	simm.s32 $0x680;
	[tilespmem:$0x1520] =	vst v1;
	[dreg:$0x11] =	wrdreg s9  }
0x22: {  	s11 =	simm.s32 $0x700;
	[tilespmem:$0x1510] =	vst v1;
	[dreg:$0x12] =	wrdreg s10  }
0x23: {  	s12 =	simm.s32 $0x780;
	[tilespmem:$0x1500] =	vst v1;
	[dreg:$0x13] =	wrdreg s11  }
0x24: {  	s5 =	srdreg.scid;
	s13 =	simm.s32 $0x800;
	[tilespmem:$0x14F0] =	vst v1;
	[dreg:$0x14] =	wrdreg s12  }
0x25: {  	s3 =	stileid.u32;
	s14 =	simm.s32 $0x880;
	[tilespmem:$0x14E0] =	vst v1;
	[dreg:$0x15] =	wrdreg s13  }
0x26: {  	s15 =	simm.s32 $0x900;
	s16 =	simm.s32 $0x980;
	[tilespmem:$0x14D0] =	vst v1;
	[dreg:$0x16] =	wrdreg s14  }
0x27: {  	s17 =	simm.s32 $0xA00;
	s25 =	sand.u32 $0x1, s5;
	[tilespmem:$0x14C0] =	vst v1;
	[dreg:$0x17] =	wrdreg s15  }
0x28: {  	s18 =	smul.u32 $0x500, s3;
	s6 =	sshll.u32 s25, $0x4;
	[tilespmem:$0x14B0] =	vst v1;
	[dreg:$0x18] =	wrdreg s16  }
0x29: {  	s7 =	sshll.u32 s25, $0x7;
	[tilespmem:$0x14A0] =	vst v1;
	[dreg:$0x19] =	wrdreg s17;
	s20 =	simm.s32 $0xB00  }
0x2a: {  	[tilespmem:$0x1490] =	vst v1;
	s22 =	simm.s32 $0xB80;
	s6 =	sor.u32 s3, s6;
	s21 =	rddreg [dreg:$0x5]  }
0x2b: {  	[tilespmem:$0x1480] =	vst v1;
	s5 =	sor.u32 s7, s18;
	s7 =	simm.s32 $0x500;
	[dreg:$0x1b] =	wrdreg s20  }
0x2c: {  	[tilespmem:$0x1470] =	vst v0;
	s18 =	simm.s32 $0xA80;
	[dreg:$0x1c] =	wrdreg s22;
	s5 =	sshrl.u32 s5, $0x3  }
0x2d: {  	[tilespmem:$0x1460] =	vst v0;
	s6 =	smul.u32 $0x280, s6;
	[dreg:$0xf] =	wrdreg s7;
	s5 =	sadd.s32 s5, s4  }
0x2e: {  	[tilespmem:$0x1450] =	vst v0;
	[dreg:$0x1a] =	wrdreg s18;
	s19 =	sadd.s32 $0x5000, s5  }
0x2f: {  	[tilespmem:$0x1440] =	vst v0;
	s4 =	sadd.s32 s4, s6;
	[dreg:$0x4] =	wrdreg s19;
	s19 =	smul.u32 $0xA00, s3  }
0x30: {  	[tilespmem:$0x1430] =	vst v0;
	s5 =	simm.s32 $0x400;
	[dreg:$0x3] =	wrdreg s4  }
0x31: {  	[tilespmem:$0x1420] =	vst v0;
	s6 =	simm.s32 $0x480;
	[dreg:$0xd] =	wrdreg s5;
	s5 =	sshrl.u32 s19, $0x2  }
0x32: {  	[tilespmem:$0x1410] =	vst v0;
	[dreg:$0xe] =	wrdreg s6;
	s4 =	simm.s32 $0x2;
	s5 =	sadd.s32 s5, s1  }
0x33: {  	[spmem:s5] =	stream.linear.scatter [tilespmem:s21], [sflag:$0x2], $0x280, $0x38;
	[tilespmem:$0x1980] =	vst v63  }
0x34: {  	_ =	swait.ge [sflag:s4], $0x280  }
0x35: {  	[sflag:s4] =	ssyncset.done $0x0  }
0x36: {  	s23 =	rddreg [dreg:$0x3];
	[sflag:s4] =	ssyncadd.s32 $0xFFFFFD80  }
0x37: {  	[tilespmem:s2], [sflag:$0x2] =	stream.linear.gather [hbm4b:s23+s2], $0x1400, $0x38;
	[tilespmem:$0x1980] =	vst v63  }
0x38: {  	_ =	swait.ge [sflag:s4], $0x1400  }
0x39: {  	[sflag:s4] =	ssyncset.done $0x0  }
0x3a: {  	[sflag:s4] =	ssyncadd.s32 $0xFFFFEC00  }
0x3b: {  	s7 =	simm.s32 $0x1400;
	s6 =	simm.s32 $0x7D;
	[bflag:$0x0] =	sbarrier.arrive $0xFFFF  }
0x3c: {  	[spmem:s1] =	stream.indirect.scatter.add.f32 [tilespmem:s7], [sflag:$0x1], $0x1, s2, s6, $0xb8;
	[tilespmem:$0x1980] =	vst v63  }
0x3d: {  	s8 =	rddreg [dreg:$0x6]  }
0x3e: {  	[spmem:s1] =	stream.indirect.scatter.add.f32 [tilespmem:s7], [sflag:$0x1], $0x1, s8, s6, $0xb8;
	[tilespmem:$0x1980] =	vst v63  }
0x3f: {  	s9 =	rddreg [dreg:$0x7]  }
0x40: {  	[spmem:s1] =	stream.indirect.scatter.add.f32 [tilespmem:s7], [sflag:$0x1], $0x1, s9, s6, $0xb8;
	[tilespmem:$0x1980] =	vst v63  }
0x41: {  	s24 =	rddreg [dreg:$0x8]  }
0x42: {  	[spmem:s1] =	stream.indirect.scatter.add.f32 [tilespmem:s7], [sflag:$0x1], $0x1, s24, s6, $0xb8;
	[tilespmem:$0x1980] =	vst v63  }
0x43: {  	s26 =	rddreg [dreg:$0x9]  }
0x44: {  	[spmem:s1] =	stream.indirect.scatter.add.f32 [tilespmem:s7], [sflag:$0x1], $0x1, s26, s6, $0xb8;
	[tilespmem:$0x1980] =	vst v63  }
0x45: {  	s31 =	rddreg [dreg:$0xa]  }
0x46: {  	[spmem:s1] =	stream.indirect.scatter.add.f32 [tilespmem:s7], [sflag:$0x1], $0x1, s31, s6, $0xb8;
	[tilespmem:$0x1980] =	vst v63  }
0x47: {  	s0 =	rddreg [dreg:$0xb]  }
0x48: {  	[spmem:s1] =	stream.indirect.scatter.add.f32 [tilespmem:s7], [sflag:$0x1], $0x1, s0, s6, $0xb8;
	[tilespmem:$0x1980] =	vst v63  }
0x49: {  	s10 =	rddreg [dreg:$0xc];
	s8 =	simm.s32 $0x1  }
0x4a: {  	[spmem:s1] =	stream.indirect.scatter.add.f32 [tilespmem:s7], [sflag:$0x1], $0x1, s10, s6, $0xb8;
	[tilespmem:$0x1980] =	vst v63  }
0x4b: {  	_ =	swait.ge [sflag:s8], $0x7D  }
0x4c: {  	[sflag:s8] =	ssyncset.done $0x0  }
0x4d: {  	[sflag:s8] =	ssyncadd.s32 $0xFFFFFF83  }
0x4e: {  	_ =	swait.ge [sflag:s8], $0x7D  }
0x4f: {  	[sflag:s8] =	ssyncset.done $0x0  }
0x50: {  	[sflag:s8] =	ssyncadd.s32 $0xFFFFFF83  }
0x51: {  	_ =	swait.ge [sflag:s8], $0x7D  }
0x52: {  	[sflag:s8] =	ssyncset.done $0x0  }
0x53: {  	[sflag:s8] =	ssyncadd.s32 $0xFFFFFF83  }
0x54: {  	_ =	swait.ge [sflag:s8], $0x7D  }
0x55: {  	[sflag:s8] =	ssyncset.done $0x0  }
0x56: {  	[sflag:s8] =	ssyncadd.s32 $0xFFFFFF83  }
0x57: {  	_ =	swait.ge [sflag:s8], $0x7D  }
0x58: {  	[sflag:s8] =	ssyncset.done $0x0  }
0x59: {  	[sflag:s8] =	ssyncadd.s32 $0xFFFFFF83  }
0x5a: {  	_ =	swait.ge [sflag:s8], $0x7D  }
0x5b: {  	[sflag:s8] =	ssyncset.done $0x0  }
0x5c: {  	[sflag:s8] =	ssyncadd.s32 $0xFFFFFF83  }
0x5d: {  	_ =	swait.ge [sflag:s8], $0x7D  }
0x5e: {  	[sflag:s8] =	ssyncset.done $0x0  }
0x5f: {  	[sflag:s8] =	ssyncadd.s32 $0xFFFFFF83  }
0x60: {  	_ =	swait.ge [sflag:s8], $0x7D  }
0x61: {  	[sflag:s8] =	ssyncset.done $0x0  }
0x62: {  	s11 =	rddreg [dreg:$0xd];
	[sflag:s8] =	ssyncadd.s32 $0xFFFFFF83  }
0x63: {  	[spmem:s1] =	stream.indirect.scatter.add.f32 [tilespmem:s7], [sflag:$0x1], $0x1, s11, s6, $0xb8;
	[tilespmem:$0x1980] =	vst v63  }
0x64: {  	s12 =	rddreg [dreg:$0xe]  }
0x65: {  	[spmem:s1] =	stream.indirect.scatter.add.f32 [tilespmem:s7], [sflag:$0x1], $0x1, s12, s6, $0xb8;
	[tilespmem:$0x1980] =	vst v63  }
0x66: {  	s13 =	rddreg [dreg:$0xf]  }
0x67: {  	[spmem:s1] =	stream.indirect.scatter.add.f32 [tilespmem:s7], [sflag:$0x1], $0x1, s13, s6, $0xb8;
	[tilespmem:$0x1980] =	vst v63  }
0x68: {  	s14 =	rddreg [dreg:$0x10]  }
0x69: {  	[spmem:s1] =	stream.indirect.scatter.add.f32 [tilespmem:s7], [sflag:$0x1], $0x1, s14, s6, $0xb8;
	[tilespmem:$0x1980] =	vst v63  }
0x6a: {  	s15 =	rddreg [dreg:$0x11]  }
0x6b: {  	[spmem:s1] =	stream.indirect.scatter.add.f32 [tilespmem:s7], [sflag:$0x1], $0x1, s15, s6, $0xb8;
	[tilespmem:$0x1980] =	vst v63  }
0x6c: {  	s16 =	rddreg [dreg:$0x12]  }
0x6d: {  	[spmem:s1] =	stream.indirect.scatter.add.f32 [tilespmem:s7], [sflag:$0x1], $0x1, s16, s6, $0xb8;
	[tilespmem:$0x1980] =	vst v63  }
0x6e: {  	s17 =	rddreg [dreg:$0x13]  }
0x6f: {  	[spmem:s1] =	stream.indirect.scatter.add.f32 [tilespmem:s7], [sflag:$0x1], $0x1, s17, s6, $0xb8;
	[tilespmem:$0x1980] =	vst v63  }
0x70: {  	s18 =	rddreg [dreg:$0x14]  }
0x71: {  	[spmem:s1] =	stream.indirect.scatter.add.f32 [tilespmem:s7], [sflag:$0x1], $0x1, s18, s6, $0xb8;
	[tilespmem:$0x1980] =	vst v63  }
0x72: {  	_ =	swait.ge [sflag:s8], $0x7D  }
0x73: {  	[sflag:s8] =	ssyncset.done $0x0  }
0x74: {  	[sflag:s8] =	ssyncadd.s32 $0xFFFFFF83  }
0x75: {  	_ =	swait.ge [sflag:s8], $0x7D  }
0x76: {  	[sflag:s8] =	ssyncset.done $0x0  }
0x77: {  	[sflag:s8] =	ssyncadd.s32 $0xFFFFFF83  }
0x78: {  	_ =	swait.ge [sflag:s8], $0x7D  }
0x79: {  	[sflag:s8] =	ssyncset.done $0x0  }
0x7a: {  	[sflag:s8] =	ssyncadd.s32 $0xFFFFFF83  }
0x7b: {  	_ =	swait.ge [sflag:s8], $0x7D  }
0x7c: {  	[sflag:s8] =	ssyncset.done $0x0  }
0x7d: {  	[sflag:s8] =	ssyncadd.s32 $0xFFFFFF83  }
0x7e: {  	_ =	swait.ge [sflag:s8], $0x7D  }
0x7f: {  	[sflag:s8] =	ssyncset.done $0x0  }
0x80: {  	[sflag:s8] =	ssyncadd.s32 $0xFFFFFF83  }
0x81: {  	_ =	swait.ge [sflag:s8], $0x7D  }
0x82: {  	[sflag:s8] =	ssyncset.done $0x0  }
0x83: {  	[sflag:s8] =	ssyncadd.s32 $0xFFFFFF83  }
0x84: {  	_ =	swait.ge [sflag:s8], $0x7D  }
0x85: {  	[sflag:s8] =	ssyncset.done $0x0  }
0x86: {  	[sflag:s8] =	ssyncadd.s32 $0xFFFFFF83  }
0x87: {  	_ =	swait.ge [sflag:s8], $0x7D  }
0x88: {  	[sflag:s8] =	ssyncset.done $0x0  }
0x89: {  	s19 =	rddreg [dreg:$0x15];
	[sflag:s8] =	ssyncadd.s32 $0xFFFFFF83  }
0x8a: {  	[spmem:s1] =	stream.indirect.scatter.add.f32 [tilespmem:s7], [sflag:$0x1], $0x1, s19, s6, $0xb8;
	[tilespmem:$0x1980] =	vst v63  }
0x8b: {  	s20 =	rddreg [dreg:$0x16]  }
0x8c: {  	[spmem:s1] =	stream.indirect.scatter.add.f32 [tilespmem:s7], [sflag:$0x1], $0x1, s20, s6, $0xb8;
	[tilespmem:$0x1980] =	vst v63  }
0x8d: {  	s21 =	rddreg [dreg:$0x17]  }
0x8e: {  	[spmem:s1] =	stream.indirect.scatter.add.f32 [tilespmem:s7], [sflag:$0x1], $0x1, s21, s6, $0xb8;
	[tilespmem:$0x1980] =	vst v63  }
0x8f: {  	s22 =	rddreg [dreg:$0x18]  }
0x90: {  	[spmem:s1] =	stream.indirect.scatter.add.f32 [tilespmem:s7], [sflag:$0x1], $0x1, s22, s6, $0xb8;
	[tilespmem:$0x1980] =	vst v63  }
0x91: {  	s23 =	rddreg [dreg:$0x19]  }
0x92: {  	[spmem:s1] =	stream.indirect.scatter.add.f32 [tilespmem:s7], [sflag:$0x1], $0x1, s23, s6, $0xb8;
	[tilespmem:$0x1980] =	vst v63  }
0x93: {  	s24 =	rddreg [dreg:$0x1a]  }
0x94: {  	[spmem:s1] =	stream.indirect.scatter.add.f32 [tilespmem:s7], [sflag:$0x1], $0x1, s24, s6, $0xb8;
	[tilespmem:$0x1980] =	vst v63  }
0x95: {  	s26 =	rddreg [dreg:$0x1b]  }
0x96: {  	[spmem:s1] =	stream.indirect.scatter.add.f32 [tilespmem:s7], [sflag:$0x1], $0x1, s26, s6, $0xb8;
	[tilespmem:$0x1980] =	vst v63  }
0x97: {  	s31 =	rddreg [dreg:$0x1c]  }
0x98: {  	[spmem:s1] =	stream.indirect.scatter.add.f32 [tilespmem:s7], [sflag:$0x1], $0x1, s31, s6, $0xb8;
	[tilespmem:$0x1980] =	vst v63  }
0x99: {  	_ =	swait.ge [sflag:s8], $0x7D  }
0x9a: {  	[sflag:s8] =	ssyncset.done $0x0  }
0x9b: {  	[sflag:s8] =	ssyncadd.s32 $0xFFFFFF83  }
0x9c: {  	_ =	swait.ge [sflag:s8], $0x7D  }
0x9d: {  	[sflag:s8] =	ssyncset.done $0x0  }
0x9e: {  	[sflag:s8] =	ssyncadd.s32 $0xFFFFFF83  }
0x9f: {  	_ =	swait.ge [sflag:s8], $0x7D  }
0xa0: {  	[sflag:s8] =	ssyncset.done $0x0  }
0xa1: {  	[sflag:s8] =	ssyncadd.s32 $0xFFFFFF83  }
0xa2: {  	_ =	swait.ge [sflag:s8], $0x7D  }
0xa3: {  	[sflag:s8] =	ssyncset.done $0x0  }
0xa4: {  	[sflag:s8] =	ssyncadd.s32 $0xFFFFFF83  }
0xa5: {  	_ =	swait.ge [sflag:s8], $0x7D  }
0xa6: {  	[sflag:s8] =	ssyncset.done $0x0  }
0xa7: {  	[sflag:s8] =	ssyncadd.s32 $0xFFFFFF83  }
0xa8: {  	_ =	swait.ge [sflag:s8], $0x7D  }
0xa9: {  	[sflag:s8] =	ssyncset.done $0x0  }
0xaa: {  	[sflag:s8] =	ssyncadd.s32 $0xFFFFFF83  }
0xab: {  	_ =	swait.ge [sflag:s8], $0x7D  }
0xac: {  	[sflag:s8] =	ssyncset.done $0x0  }
0xad: {  	[sflag:s8] =	ssyncadd.s32 $0xFFFFFF83  }
0xae: {  	_ =	swait.ge [sflag:s8], $0x7D  }
0xaf: {  	[sflag:s8] =	ssyncset.done $0x0  }
0xb0: {  	s9 =	simm.s32 $0xC00;
	[sflag:s8] =	ssyncadd.s32 $0xFFFFFF83  }
0xb1: {  	[spmem:s1] =	stream.indirect.scatter.add.f32 [tilespmem:s7], [sflag:$0x1], $0x1, s9, s6, $0xb8;
	[tilespmem:$0x1980] =	vst v63  }
0xb2: {  	s10 =	simm.s32 $0xC80  }
0xb3: {  	[spmem:s1] =	stream.indirect.scatter.add.f32 [tilespmem:s7], [sflag:$0x1], $0x1, s10, s6, $0xb8;
	[tilespmem:$0x1980] =	vst v63  }
0xb4: {  	s11 =	simm.s32 $0xD00  }
0xb5: {  	[spmem:s1] =	stream.indirect.scatter.add.f32 [tilespmem:s7], [sflag:$0x1], $0x1, s11, s6, $0xb8;
	[tilespmem:$0x1980] =	vst v63  }
0xb6: {  	s12 =	simm.s32 $0xD80  }
0xb7: {  	[spmem:s1] =	stream.indirect.scatter.add.f32 [tilespmem:s7], [sflag:$0x1], $0x1, s12, s6, $0xb8;
	[tilespmem:$0x1980] =	vst v63  }
0xb8: {  	s13 =	simm.s32 $0xE00  }
0xb9: {  	[spmem:s1] =	stream.indirect.scatter.add.f32 [tilespmem:s7], [sflag:$0x1], $0x1, s13, s6, $0xb8;
	[tilespmem:$0x1980] =	vst v63  }
0xba: {  	s14 =	simm.s32 $0xE80  }
0xbb: {  	[spmem:s1] =	stream.indirect.scatter.add.f32 [tilespmem:s7], [sflag:$0x1], $0x1, s14, s6, $0xb8;
	[tilespmem:$0x1980] =	vst v63  }
0xbc: {  	s15 =	simm.s32 $0xF00  }
0xbd: {  	[spmem:s1] =	stream.indirect.scatter.add.f32 [tilespmem:s7], [sflag:$0x1], $0x1, s15, s6, $0xb8;
	[tilespmem:$0x1980] =	vst v63  }
0xbe: {  	s16 =	simm.s32 $0xF80  }
0xbf: {  	[spmem:s1] =	stream.indirect.scatter.add.f32 [tilespmem:s7], [sflag:$0x1], $0x1, s16, s6, $0xb8;
	[tilespmem:$0x1980] =	vst v63  }
0xc0: {  	_ =	swait.ge [sflag:s8], $0x7D  }
0xc1: {  	[sflag:s8] =	ssyncset.done $0x0  }
0xc2: {  	[sflag:s8] =	ssyncadd.s32 $0xFFFFFF83  }
0xc3: {  	_ =	swait.ge [sflag:s8], $0x7D  }
0xc4: {  	[sflag:s8] =	ssyncset.done $0x0  }
0xc5: {  	[sflag:s8] =	ssyncadd.s32 $0xFFFFFF83  }
0xc6: {  	_ =	swait.ge [sflag:s8], $0x7D  }
0xc7: {  	[sflag:s8] =	ssyncset.done $0x0  }
0xc8: {  	[sflag:s8] =	ssyncadd.s32 $0xFFFFFF83  }
0xc9: {  	_ =	swait.ge [sflag:s8], $0x7D  }
0xca: {  	[sflag:s8] =	ssyncset.done $0x0  }
0xcb: {  	[sflag:s8] =	ssyncadd.s32 $0xFFFFFF83  }
0xcc: {  	_ =	swait.ge [sflag:s8], $0x7D  }
0xcd: {  	[sflag:s8] =	ssyncset.done $0x0  }
0xce: {  	[sflag:s8] =	ssyncadd.s32 $0xFFFFFF83  }
0xcf: {  	_ =	swait.ge [sflag:s8], $0x7D  }
0xd0: {  	[sflag:s8] =	ssyncset.done $0x0  }
0xd1: {  	[sflag:s8] =	ssyncadd.s32 $0xFFFFFF83  }
0xd2: {  	_ =	swait.ge [sflag:s8], $0x7D  }
0xd3: {  	[sflag:s8] =	ssyncset.done $0x0  }
0xd4: {  	[sflag:s8] =	ssyncadd.s32 $0xFFFFFF83  }
0xd5: {  	_ =	swait.ge [sflag:s8], $0x7D  }
0xd6: {  	[sflag:s8] =	ssyncset.done $0x0  }
0xd7: {  	s17 =	simm.s32 $0x1000;
	[sflag:s8] =	ssyncadd.s32 $0xFFFFFF83  }
0xd8: {  	[spmem:s1] =	stream.indirect.scatter.add.f32 [tilespmem:s7], [sflag:$0x1], $0x1, s17, s6, $0xb8;
	[tilespmem:$0x1980] =	vst v63  }
0xd9: {  	s18 =	simm.s32 $0x1080  }
0xda: {  	[spmem:s1] =	stream.indirect.scatter.add.f32 [tilespmem:s7], [sflag:$0x1], $0x1, s18, s6, $0xb8;
	[tilespmem:$0x1980] =	vst v63  }
0xdb: {  	s19 =	simm.s32 $0x1100  }
0xdc: {  	[spmem:s1] =	stream.indirect.scatter.add.f32 [tilespmem:s7], [sflag:$0x1], $0x1, s19, s6, $0xb8;
	[tilespmem:$0x1980] =	vst v63  }
0xdd: {  	s20 =	simm.s32 $0x1180  }
0xde: {  	[spmem:s1] =	stream.indirect.scatter.add.f32 [tilespmem:s7], [sflag:$0x1], $0x1, s20, s6, $0xb8;
	[tilespmem:$0x1980] =	vst v63  }
0xdf: {  	s21 =	simm.s32 $0x1200  }
0xe0: {  	[spmem:s1] =	stream.indirect.scatter.add.f32 [tilespmem:s7], [sflag:$0x1], $0x1, s21, s6, $0xb8;
	[tilespmem:$0x1980] =	vst v63  }
0xe1: {  	s22 =	simm.s32 $0x1280  }
0xe2: {  	[spmem:s1] =	stream.indirect.scatter.add.f32 [tilespmem:s7], [sflag:$0x1], $0x1, s22, s6, $0xb8;
	[tilespmem:$0x1980] =	vst v63  }
0xe3: {  	s23 =	simm.s32 $0x1300  }
0xe4: {  	[spmem:s1] =	stream.indirect.scatter.add.f32 [tilespmem:s7], [sflag:$0x1], $0x1, s23, s6, $0xb8;
	[tilespmem:$0x1980] =	vst v63  }
0xe5: {  	s24 =	simm.s32 $0x1380  }
0xe6: {  	[spmem:s1] =	stream.indirect.scatter.add.f32 [tilespmem:s7], [sflag:$0x1], $0x1, s24, s6, $0xb8;
	[tilespmem:$0x1980] =	vst v63  }
0xe7: {  	_ =	swait.ge [sflag:s8], $0x7D  }
0xe8: {  	[sflag:s8] =	ssyncset.done $0x0  }
0xe9: {  	[sflag:s8] =	ssyncadd.s32 $0xFFFFFF83  }
0xea: {  	_ =	swait.ge [sflag:s8], $0x7D  }
0xeb: {  	[sflag:s8] =	ssyncset.done $0x0  }
0xec: {  	[sflag:s8] =	ssyncadd.s32 $0xFFFFFF83  }
0xed: {  	_ =	swait.ge [sflag:s8], $0x7D  }
0xee: {  	[sflag:s8] =	ssyncset.done $0x0  }
0xef: {  	[sflag:s8] =	ssyncadd.s32 $0xFFFFFF83  }
0xf0: {  	_ =	swait.ge [sflag:s8], $0x7D  }
0xf1: {  	[sflag:s8] =	ssyncset.done $0x0  }
0xf2: {  	[sflag:s8] =	ssyncadd.s32 $0xFFFFFF83  }
0xf3: {  	_ =	swait.ge [sflag:s8], $0x7D  }
0xf4: {  	[sflag:s8] =	ssyncset.done $0x0  }
0xf5: {  	[sflag:s8] =	ssyncadd.s32 $0xFFFFFF83  }
0xf6: {  	_ =	swait.ge [sflag:s8], $0x7D  }
0xf7: {  	[sflag:s8] =	ssyncset.done $0x0  }
0xf8: {  	[sflag:s8] =	ssyncadd.s32 $0xFFFFFF83  }
0xf9: {  	_ =	swait.ge [sflag:s8], $0x7D  }
0xfa: {  	[sflag:s8] =	ssyncset.done $0x0  }
0xfb: {  	[sflag:s8] =	ssyncadd.s32 $0xFFFFFF83  }
0xfc: {  	_ =	swait.ge [sflag:s8], $0x7D  }
0xfd: {  	s28 =	sshll.u32 s3, $0x6;
	s25 =	ssub.s32 $0x2, s25;
	[sflag:s8] =	ssyncset.done $0x0  }
0xfe: {  	s29 =	sshrl.u32 s5, $0x3;
	s26 =	sshrl.u32 s25, $0x1;
	[sflag:s8] =	ssyncadd.s32 $0xFFFFFF83  }
0xff: {  	s31 =	ssub.s32 s25, s26;
	s25 =	sor.u32 $0x1C02, s28;
	[bflag:$0x0] =	sbarrier.arrive $0xFFFF  }
0x100: {  	s26 =	simm.s32 $0x20;
	s28 =	simm.s32 $0x10;
	s30 =	rddreg [dreg:$0x4]  }
0x101: {  	[hbm:s30@s26], [sflag:s25] =	dma.strided [spmem:s29@s28], $0x50, s8, $0x10   }
0x102: {  	s30 =	smax.u32 s31, $0x1  }
0x103: {  	p0 =	sne.s32 s30, $0x1  }
.Ltmp0:
0x104: {  	_ = 	snop;
	(pc) =	sbr.rel @!p0 .LBB2_2-.Ltmp0, $3  }
0x105: {  	_ =	sdelay $0x1  }
0x106: {  	_ =	swait.ge [sflag:s4], $0x50  }
0x107: {  	s30 =	sadd.s32 $0xFFFFFFFF, s30;
	[sflag:s4] =	ssyncset.done $0x0  }
.LBB2_1:
0x108: {  	[sflag:s4] =	ssyncadd.s32 $0xFFFFFFB0  }
0x109: {  	[tilespmem:$0x1400] =	vst v0  }
0x10a: {  	[tilespmem:$0x16F0] =	vst v1  }
0x10b: {  	[tilespmem:$0x16E0] =	vst v1  }
0x10c: {  	[tilespmem:$0x16D0] =	vst v1  }
0x10d: {  	[tilespmem:$0x16C0] =	vst v1  }
0x10e: {  	[tilespmem:$0x16B0] =	vst v1  }
0x10f: {  	[tilespmem:$0x16A0] =	vst v1  }
0x110: {  	[tilespmem:$0x1690] =	vst v1  }
0x111: {  	[tilespmem:$0x1680] =	vst v1  }
0x112: {  	[tilespmem:$0x1670] =	vst v1  }
0x113: {  	[tilespmem:$0x1660] =	vst v1  }
0x114: {  	[tilespmem:$0x1650] =	vst v1  }
0x115: {  	[tilespmem:$0x1640] =	vst v1  }
0x116: {  	[tilespmem:$0x1630] =	vst v1  }
0x117: {  	[tilespmem:$0x1620] =	vst v1  }
0x118: {  	[tilespmem:$0x1610] =	vst v1  }
0x119: {  	[tilespmem:$0x1600] =	vst v1  }
0x11a: {  	[tilespmem:$0x15F0] =	vst v1  }
0x11b: {  	[tilespmem:$0x15E0] =	vst v1  }
0x11c: {  	[tilespmem:$0x15D0] =	vst v1  }
0x11d: {  	[tilespmem:$0x15C0] =	vst v1  }
0x11e: {  	[tilespmem:$0x15B0] =	vst v1  }
0x11f: {  	[tilespmem:$0x15A0] =	vst v1  }
0x120: {  	[tilespmem:$0x1590] =	vst v1  }
0x121: {  	[tilespmem:$0x1580] =	vst v1  }
0x122: {  	[tilespmem:$0x1570] =	vst v1  }
0x123: {  	[tilespmem:$0x1560] =	vst v1  }
0x124: {  	[tilespmem:$0x1550] =	vst v1  }
0x125: {  	[tilespmem:$0x1540] =	vst v1  }
0x126: {  	[tilespmem:$0x1530] =	vst v1  }
0x127: {  	[tilespmem:$0x1520] =	vst v1  }
0x128: {  	[tilespmem:$0x1510] =	vst v1  }
0x129: {  	[tilespmem:$0x1500] =	vst v1  }
0x12a: {  	[tilespmem:$0x14F0] =	vst v1  }
0x12b: {  	[tilespmem:$0x14E0] =	vst v1  }
0x12c: {  	[tilespmem:$0x14D0] =	vst v1  }
0x12d: {  	[tilespmem:$0x14C0] =	vst v1  }
0x12e: {  	[tilespmem:$0x14B0] =	vst v1  }
0x12f: {  	[tilespmem:$0x14A0] =	vst v1  }
0x130: {  	[tilespmem:$0x1490] =	vst v1  }
0x131: {  	[tilespmem:$0x1480] =	vst v1  }
0x132: {  	[tilespmem:$0x1470] =	vst v0  }
0x133: {  	[tilespmem:$0x1460] =	vst v0  }
0x134: {  	[tilespmem:$0x1450] =	vst v0  }
0x135: {  	[tilespmem:$0x1440] =	vst v0  }
0x136: {  	[tilespmem:$0x1430] =	vst v0  }
0x137: {  	[tilespmem:$0x1420] =	vst v0  }
0x138: {  	s31 =	rddreg [dreg:$0x5];
	[tilespmem:$0x1410] =	vst v0  }
0x139: {  	[spmem:s5] =	stream.linear.scatter [tilespmem:s31], [sflag:$0x2], $0x280, $0x38;
	[tilespmem:$0x1980] =	vst v63  }
0x13a: {  	_ =	swait.ge [sflag:s4], $0x280  }
0x13b: {  	[sflag:s4] =	ssyncset.done $0x0  }
0x13c: {  	s0 =	rddreg [dreg:$0x3];
	[sflag:s4] =	ssyncadd.s32 $0xFFFFFD80  }
0x13d: {  	[tilespmem:s2], [sflag:$0x2] =	stream.linear.gather [hbm4b:s0+s2], $0x1400, $0x38;
	[tilespmem:$0x1980] =	vst v63  }
0x13e: {  	_ =	swait.ge [sflag:s4], $0x1400  }
0x13f: {  	[sflag:s4] =	ssyncset.done $0x0  }
0x140: {  	[sflag:s4] =	ssyncadd.s32 $0xFFFFEC00  }
0x141: {  	[bflag:$0x0] =	sbarrier.arrive $0xFFFF  }
0x142: {  	[spmem:s1] =	stream.indirect.scatter.add.f32 [tilespmem:s7], [sflag:$0x1], $0x1, s2, s6, $0xb8;
	[tilespmem:$0x1980] =	vst v63  }
0x143: {  	s31 =	rddreg [dreg:$0x6]  }
0x144: {  	[spmem:s1] =	stream.indirect.scatter.add.f32 [tilespmem:s7], [sflag:$0x1], $0x1, s31, s6, $0xb8;
	[tilespmem:$0x1980] =	vst v63  }
0x145: {  	s0 =	rddreg [dreg:$0x7]  }
0x146: {  	[spmem:s1] =	stream.indirect.scatter.add.f32 [tilespmem:s7], [sflag:$0x1], $0x1, s0, s6, $0xb8;
	[tilespmem:$0x1980] =	vst v63  }
0x147: {  	s31 =	rddreg [dreg:$0x8]  }
0x148: {  	[spmem:s1] =	stream.indirect.scatter.add.f32 [tilespmem:s7], [sflag:$0x1], $0x1, s31, s6, $0xb8;
	[tilespmem:$0x1980] =	vst v63  }
0x149: {  	s0 =	rddreg [dreg:$0x9]  }
0x14a: {  	[spmem:s1] =	stream.indirect.scatter.add.f32 [tilespmem:s7], [sflag:$0x1], $0x1, s0, s6, $0xb8;
	[tilespmem:$0x1980] =	vst v63  }
0x14b: {  	s31 =	rddreg [dreg:$0xa]  }
0x14c: {  	[spmem:s1] =	stream.indirect.scatter.add.f32 [tilespmem:s7], [sflag:$0x1], $0x1, s31, s6, $0xb8;
	[tilespmem:$0x1980] =	vst v63  }
0x14d: {  	s0 =	rddreg [dreg:$0xb]  }
0x14e: {  	[spmem:s1] =	stream.indirect.scatter.add.f32 [tilespmem:s7], [sflag:$0x1], $0x1, s0, s6, $0xb8;
	[tilespmem:$0x1980] =	vst v63  }
0x14f: {  	s31 =	rddreg [dreg:$0xc]  }
0x150: {  	[spmem:s1] =	stream.indirect.scatter.add.f32 [tilespmem:s7], [sflag:$0x1], $0x1, s31, s6, $0xb8;
	[tilespmem:$0x1980] =	vst v63  }
0x151: {  	_ =	swait.ge [sflag:s8], $0x7D  }
0x152: {  	[sflag:s8] =	ssyncset.done $0x0  }
0x153: {  	[sflag:s8] =	ssyncadd.s32 $0xFFFFFF83  }
0x154: {  	_ =	swait.ge [sflag:s8], $0x7D  }
0x155: {  	[sflag:s8] =	ssyncset.done $0x0  }
0x156: {  	[sflag:s8] =	ssyncadd.s32 $0xFFFFFF83  }
0x157: {  	_ =	swait.ge [sflag:s8], $0x7D  }
0x158: {  	[sflag:s8] =	ssyncset.done $0x0  }
0x159: {  	[sflag:s8] =	ssyncadd.s32 $0xFFFFFF83  }
0x15a: {  	_ =	swait.ge [sflag:s8], $0x7D  }
0x15b: {  	[sflag:s8] =	ssyncset.done $0x0  }
0x15c: {  	[sflag:s8] =	ssyncadd.s32 $0xFFFFFF83  }
0x15d: {  	_ =	swait.ge [sflag:s8], $0x7D  }
0x15e: {  	[sflag:s8] =	ssyncset.done $0x0  }
0x15f: {  	[sflag:s8] =	ssyncadd.s32 $0xFFFFFF83  }
0x160: {  	_ =	swait.ge [sflag:s8], $0x7D  }
0x161: {  	[sflag:s8] =	ssyncset.done $0x0  }
0x162: {  	[sflag:s8] =	ssyncadd.s32 $0xFFFFFF83  }
0x163: {  	_ =	swait.ge [sflag:s8], $0x7D  }
0x164: {  	[sflag:s8] =	ssyncset.done $0x0  }
0x165: {  	[sflag:s8] =	ssyncadd.s32 $0xFFFFFF83  }
0x166: {  	_ =	swait.ge [sflag:s8], $0x7D  }
0x167: {  	[sflag:s8] =	ssyncset.done $0x0  }
0x168: {  	s0 =	rddreg [dreg:$0xd];
	[sflag:s8] =	ssyncadd.s32 $0xFFFFFF83  }
0x169: {  	[spmem:s1] =	stream.indirect.scatter.add.f32 [tilespmem:s7], [sflag:$0x1], $0x1, s0, s6, $0xb8;
	[tilespmem:$0x1980] =	vst v63  }
0x16a: {  	s31 =	rddreg [dreg:$0xe]  }
0x16b: {  	[spmem:s1] =	stream.indirect.scatter.add.f32 [tilespmem:s7], [sflag:$0x1], $0x1, s31, s6, $0xb8;
	[tilespmem:$0x1980] =	vst v63  }
0x16c: {  	s0 =	rddreg [dreg:$0xf]  }
0x16d: {  	[spmem:s1] =	stream.indirect.scatter.add.f32 [tilespmem:s7], [sflag:$0x1], $0x1, s0, s6, $0xb8;
	[tilespmem:$0x1980] =	vst v63  }
0x16e: {  	s31 =	rddreg [dreg:$0x10]  }
0x16f: {  	[spmem:s1] =	stream.indirect.scatter.add.f32 [tilespmem:s7], [sflag:$0x1], $0x1, s31, s6, $0xb8;
	[tilespmem:$0x1980] =	vst v63  }
0x170: {  	s0 =	rddreg [dreg:$0x11]  }
0x171: {  	[spmem:s1] =	stream.indirect.scatter.add.f32 [tilespmem:s7], [sflag:$0x1], $0x1, s0, s6, $0xb8;
	[tilespmem:$0x1980] =	vst v63  }
0x172: {  	s31 =	rddreg [dreg:$0x12]  }
0x173: {  	[spmem:s1] =	stream.indirect.scatter.add.f32 [tilespmem:s7], [sflag:$0x1], $0x1, s31, s6, $0xb8;
	[tilespmem:$0x1980] =	vst v63  }
0x174: {  	s0 =	rddreg [dreg:$0x13]  }
0x175: {  	[spmem:s1] =	stream.indirect.scatter.add.f32 [tilespmem:s7], [sflag:$0x1], $0x1, s0, s6, $0xb8;
	[tilespmem:$0x1980] =	vst v63  }
0x176: {  	s31 =	rddreg [dreg:$0x14]  }
0x177: {  	[spmem:s1] =	stream.indirect.scatter.add.f32 [tilespmem:s7], [sflag:$0x1], $0x1, s31, s6, $0xb8;
	[tilespmem:$0x1980] =	vst v63  }
0x178: {  	_ =	swait.ge [sflag:s8], $0x7D  }
0x179: {  	[sflag:s8] =	ssyncset.done $0x0  }
0x17a: {  	[sflag:s8] =	ssyncadd.s32 $0xFFFFFF83  }
0x17b: {  	_ =	swait.ge [sflag:s8], $0x7D  }
0x17c: {  	[sflag:s8] =	ssyncset.done $0x0  }
0x17d: {  	[sflag:s8] =	ssyncadd.s32 $0xFFFFFF83  }
0x17e: {  	_ =	swait.ge [sflag:s8], $0x7D  }
0x17f: {  	[sflag:s8] =	ssyncset.done $0x0  }
0x180: {  	[sflag:s8] =	ssyncadd.s32 $0xFFFFFF83  }
0x181: {  	_ =	swait.ge [sflag:s8], $0x7D  }
0x182: {  	[sflag:s8] =	ssyncset.done $0x0  }
0x183: {  	[sflag:s8] =	ssyncadd.s32 $0xFFFFFF83  }
0x184: {  	_ =	swait.ge [sflag:s8], $0x7D  }
0x185: {  	[sflag:s8] =	ssyncset.done $0x0  }
0x186: {  	[sflag:s8] =	ssyncadd.s32 $0xFFFFFF83  }
0x187: {  	_ =	swait.ge [sflag:s8], $0x7D  }
0x188: {  	[sflag:s8] =	ssyncset.done $0x0  }
0x189: {  	[sflag:s8] =	ssyncadd.s32 $0xFFFFFF83  }
0x18a: {  	_ =	swait.ge [sflag:s8], $0x7D  }
0x18b: {  	[sflag:s8] =	ssyncset.done $0x0  }
0x18c: {  	[sflag:s8] =	ssyncadd.s32 $0xFFFFFF83  }
0x18d: {  	_ =	swait.ge [sflag:s8], $0x7D  }
0x18e: {  	[sflag:s8] =	ssyncset.done $0x0  }
0x18f: {  	s0 =	rddreg [dreg:$0x15];
	[sflag:s8] =	ssyncadd.s32 $0xFFFFFF83  }
0x190: {  	[spmem:s1] =	stream.indirect.scatter.add.f32 [tilespmem:s7], [sflag:$0x1], $0x1, s0, s6, $0xb8;
	[tilespmem:$0x1980] =	vst v63  }
0x191: {  	s31 =	rddreg [dreg:$0x16]  }
0x192: {  	[spmem:s1] =	stream.indirect.scatter.add.f32 [tilespmem:s7], [sflag:$0x1], $0x1, s31, s6, $0xb8;
	[tilespmem:$0x1980] =	vst v63  }
0x193: {  	s0 =	rddreg [dreg:$0x17]  }
0x194: {  	[spmem:s1] =	stream.indirect.scatter.add.f32 [tilespmem:s7], [sflag:$0x1], $0x1, s0, s6, $0xb8;
	[tilespmem:$0x1980] =	vst v63  }
0x195: {  	s31 =	rddreg [dreg:$0x18]  }
0x196: {  	[spmem:s1] =	stream.indirect.scatter.add.f32 [tilespmem:s7], [sflag:$0x1], $0x1, s31, s6, $0xb8;
	[tilespmem:$0x1980] =	vst v63  }
0x197: {  	s0 =	rddreg [dreg:$0x19]  }
0x198: {  	[spmem:s1] =	stream.indirect.scatter.add.f32 [tilespmem:s7], [sflag:$0x1], $0x1, s0, s6, $0xb8;
	[tilespmem:$0x1980] =	vst v63  }
0x199: {  	s31 =	rddreg [dreg:$0x1a]  }
0x19a: {  	[spmem:s1] =	stream.indirect.scatter.add.f32 [tilespmem:s7], [sflag:$0x1], $0x1, s31, s6, $0xb8;
	[tilespmem:$0x1980] =	vst v63  }
0x19b: {  	s0 =	rddreg [dreg:$0x1b]  }
0x19c: {  	[spmem:s1] =	stream.indirect.scatter.add.f32 [tilespmem:s7], [sflag:$0x1], $0x1, s0, s6, $0xb8;
	[tilespmem:$0x1980] =	vst v63  }
0x19d: {  	s31 =	rddreg [dreg:$0x1c]  }
0x19e: {  	[spmem:s1] =	stream.indirect.scatter.add.f32 [tilespmem:s7], [sflag:$0x1], $0x1, s31, s6, $0xb8;
	[tilespmem:$0x1980] =	vst v63  }
0x19f: {  	_ =	swait.ge [sflag:s8], $0x7D  }
0x1a0: {  	[sflag:s8] =	ssyncset.done $0x0  }
0x1a1: {  	[sflag:s8] =	ssyncadd.s32 $0xFFFFFF83  }
0x1a2: {  	_ =	swait.ge [sflag:s8], $0x7D  }
0x1a3: {  	[sflag:s8] =	ssyncset.done $0x0  }
0x1a4: {  	[sflag:s8] =	ssyncadd.s32 $0xFFFFFF83  }
0x1a5: {  	_ =	swait.ge [sflag:s8], $0x7D  }
0x1a6: {  	[sflag:s8] =	ssyncset.done $0x0  }
0x1a7: {  	[sflag:s8] =	ssyncadd.s32 $0xFFFFFF83  }
0x1a8: {  	_ =	swait.ge [sflag:s8], $0x7D  }
0x1a9: {  	[sflag:s8] =	ssyncset.done $0x0  }
0x1aa: {  	[sflag:s8] =	ssyncadd.s32 $0xFFFFFF83  }
0x1ab: {  	_ =	swait.ge [sflag:s8], $0x7D  }
0x1ac: {  	[sflag:s8] =	ssyncset.done $0x0  }
0x1ad: {  	[sflag:s8] =	ssyncadd.s32 $0xFFFFFF83  }
0x1ae: {  	_ =	swait.ge [sflag:s8], $0x7D  }
0x1af: {  	[sflag:s8] =	ssyncset.done $0x0  }
0x1b0: {  	[sflag:s8] =	ssyncadd.s32 $0xFFFFFF83  }
0x1b1: {  	_ =	swait.ge [sflag:s8], $0x7D  }
0x1b2: {  	[sflag:s8] =	ssyncset.done $0x0  }
0x1b3: {  	[sflag:s8] =	ssyncadd.s32 $0xFFFFFF83  }
0x1b4: {  	_ =	swait.ge [sflag:s8], $0x7D  }
0x1b5: {  	[sflag:s8] =	ssyncset.done $0x0  }
0x1b6: {  	[sflag:s8] =	ssyncadd.s32 $0xFFFFFF83  }
0x1b7: {  	[spmem:s1] =	stream.indirect.scatter.add.f32 [tilespmem:s7], [sflag:$0x1], $0x1, s9, s6, $0xb8;
	[tilespmem:$0x1980] =	vst v63  }
0x1b8: {  	_ = 	snop  }
0x1b9: {  	[spmem:s1] =	stream.indirect.scatter.add.f32 [tilespmem:s7], [sflag:$0x1], $0x1, s10, s6, $0xb8;
	[tilespmem:$0x1980] =	vst v63  }
0x1ba: {  	_ = 	snop  }
0x1bb: {  	[spmem:s1] =	stream.indirect.scatter.add.f32 [tilespmem:s7], [sflag:$0x1], $0x1, s11, s6, $0xb8;
	[tilespmem:$0x1980] =	vst v63  }
0x1bc: {  	_ = 	snop  }
0x1bd: {  	[spmem:s1] =	stream.indirect.scatter.add.f32 [tilespmem:s7], [sflag:$0x1], $0x1, s12, s6, $0xb8;
	[tilespmem:$0x1980] =	vst v63  }
0x1be: {  	_ = 	snop  }
0x1bf: {  	[spmem:s1] =	stream.indirect.scatter.add.f32 [tilespmem:s7], [sflag:$0x1], $0x1, s13, s6, $0xb8;
	[tilespmem:$0x1980] =	vst v63  }
0x1c0: {  	_ = 	snop  }
0x1c1: {  	[spmem:s1] =	stream.indirect.scatter.add.f32 [tilespmem:s7], [sflag:$0x1], $0x1, s14, s6, $0xb8;
	[tilespmem:$0x1980] =	vst v63  }
0x1c2: {  	_ = 	snop  }
0x1c3: {  	[spmem:s1] =	stream.indirect.scatter.add.f32 [tilespmem:s7], [sflag:$0x1], $0x1, s15, s6, $0xb8;
	[tilespmem:$0x1980] =	vst v63  }
0x1c4: {  	_ = 	snop  }
0x1c5: {  	[spmem:s1] =	stream.indirect.scatter.add.f32 [tilespmem:s7], [sflag:$0x1], $0x1, s16, s6, $0xb8;
	[tilespmem:$0x1980] =	vst v63  }
0x1c6: {  	_ =	swait.ge [sflag:s8], $0x7D  }
0x1c7: {  	[sflag:s8] =	ssyncset.done $0x0  }
0x1c8: {  	[sflag:s8] =	ssyncadd.s32 $0xFFFFFF83  }
0x1c9: {  	_ =	swait.ge [sflag:s8], $0x7D  }
0x1ca: {  	[sflag:s8] =	ssyncset.done $0x0  }
0x1cb: {  	[sflag:s8] =	ssyncadd.s32 $0xFFFFFF83  }
0x1cc: {  	_ =	swait.ge [sflag:s8], $0x7D  }
0x1cd: {  	[sflag:s8] =	ssyncset.done $0x0  }
0x1ce: {  	[sflag:s8] =	ssyncadd.s32 $0xFFFFFF83  }
0x1cf: {  	_ =	swait.ge [sflag:s8], $0x7D  }
0x1d0: {  	[sflag:s8] =	ssyncset.done $0x0  }
0x1d1: {  	[sflag:s8] =	ssyncadd.s32 $0xFFFFFF83  }
0x1d2: {  	_ =	swait.ge [sflag:s8], $0x7D  }
0x1d3: {  	[sflag:s8] =	ssyncset.done $0x0  }
0x1d4: {  	[sflag:s8] =	ssyncadd.s32 $0xFFFFFF83  }
0x1d5: {  	_ =	swait.ge [sflag:s8], $0x7D  }
0x1d6: {  	[sflag:s8] =	ssyncset.done $0x0  }
0x1d7: {  	[sflag:s8] =	ssyncadd.s32 $0xFFFFFF83  }
0x1d8: {  	_ =	swait.ge [sflag:s8], $0x7D  }
0x1d9: {  	[sflag:s8] =	ssyncset.done $0x0  }
0x1da: {  	[sflag:s8] =	ssyncadd.s32 $0xFFFFFF83  }
0x1db: {  	_ =	swait.ge [sflag:s8], $0x7D  }
0x1dc: {  	[sflag:s8] =	ssyncset.done $0x0  }
0x1dd: {  	[sflag:s8] =	ssyncadd.s32 $0xFFFFFF83  }
0x1de: {  	[spmem:s1] =	stream.indirect.scatter.add.f32 [tilespmem:s7], [sflag:$0x1], $0x1, s17, s6, $0xb8;
	[tilespmem:$0x1980] =	vst v63  }
0x1df: {  	_ = 	snop  }
0x1e0: {  	[spmem:s1] =	stream.indirect.scatter.add.f32 [tilespmem:s7], [sflag:$0x1], $0x1, s18, s6, $0xb8;
	[tilespmem:$0x1980] =	vst v63  }
0x1e1: {  	_ = 	snop  }
0x1e2: {  	[spmem:s1] =	stream.indirect.scatter.add.f32 [tilespmem:s7], [sflag:$0x1], $0x1, s19, s6, $0xb8;
	[tilespmem:$0x1980] =	vst v63  }
0x1e3: {  	_ = 	snop  }
0x1e4: {  	[spmem:s1] =	stream.indirect.scatter.add.f32 [tilespmem:s7], [sflag:$0x1], $0x1, s20, s6, $0xb8;
	[tilespmem:$0x1980] =	vst v63  }
0x1e5: {  	_ = 	snop  }
0x1e6: {  	[spmem:s1] =	stream.indirect.scatter.add.f32 [tilespmem:s7], [sflag:$0x1], $0x1, s21, s6, $0xb8;
	[tilespmem:$0x1980] =	vst v63  }
0x1e7: {  	_ = 	snop  }
0x1e8: {  	[spmem:s1] =	stream.indirect.scatter.add.f32 [tilespmem:s7], [sflag:$0x1], $0x1, s22, s6, $0xb8;
	[tilespmem:$0x1980] =	vst v63  }
0x1e9: {  	_ = 	snop  }
0x1ea: {  	[spmem:s1] =	stream.indirect.scatter.add.f32 [tilespmem:s7], [sflag:$0x1], $0x1, s23, s6, $0xb8;
	[tilespmem:$0x1980] =	vst v63  }
0x1eb: {  	_ = 	snop  }
0x1ec: {  	[spmem:s1] =	stream.indirect.scatter.add.f32 [tilespmem:s7], [sflag:$0x1], $0x1, s24, s6, $0xb8;
	[tilespmem:$0x1980] =	vst v63  }
0x1ed: {  	_ =	swait.ge [sflag:s8], $0x7D  }
0x1ee: {  	[sflag:s8] =	ssyncset.done $0x0  }
0x1ef: {  	[sflag:s8] =	ssyncadd.s32 $0xFFFFFF83  }
0x1f0: {  	_ =	swait.ge [sflag:s8], $0x7D  }
0x1f1: {  	[sflag:s8] =	ssyncset.done $0x0  }
0x1f2: {  	[sflag:s8] =	ssyncadd.s32 $0xFFFFFF83  }
0x1f3: {  	_ =	swait.ge [sflag:s8], $0x7D  }
0x1f4: {  	[sflag:s8] =	ssyncset.done $0x0  }
0x1f5: {  	[sflag:s8] =	ssyncadd.s32 $0xFFFFFF83  }
0x1f6: {  	_ =	swait.ge [sflag:s8], $0x7D  }
0x1f7: {  	[sflag:s8] =	ssyncset.done $0x0  }
0x1f8: {  	[sflag:s8] =	ssyncadd.s32 $0xFFFFFF83  }
0x1f9: {  	_ =	swait.ge [sflag:s8], $0x7D  }
0x1fa: {  	[sflag:s8] =	ssyncset.done $0x0  }
0x1fb: {  	[sflag:s8] =	ssyncadd.s32 $0xFFFFFF83  }
0x1fc: {  	_ =	swait.ge [sflag:s8], $0x7D  }
0x1fd: {  	[sflag:s8] =	ssyncset.done $0x0  }
0x1fe: {  	[sflag:s8] =	ssyncadd.s32 $0xFFFFFF83  }
0x1ff: {  	_ =	swait.ge [sflag:s8], $0x7D  }
0x200: {  	[sflag:s8] =	ssyncset.done $0x0  }
0x201: {  	[sflag:s8] =	ssyncadd.s32 $0xFFFFFF83  }
0x202: {  	_ =	swait.ge [sflag:s8], $0x7D  }
0x203: {  	[sflag:s8] =	ssyncset.done $0x0  }
0x204: {  	p0 =	sne.s32 s30, $0x1;
	[sflag:s8] =	ssyncadd.s32 $0xFFFFFF83  }
.Ltmp1:
0x205: {  	[bflag:$0x0] =	sbarrier.arrive $0xFFFF;
	(pc) =	sbr.rel @p0 .LBB2_1-.Ltmp1, $4  }
0x206: {  	s31 =	rddreg [dreg:$0x4]  }
0x207: {  	[hbm:s31@s26], [sflag:s25] =	dma.strided [spmem:s29@s28], $0x50, s8, $0x10   }
0x208: {  	_ =	swait.ge [sflag:s4], $0x50  }
0x209: {  	s30 =	sadd.s32 $0xFFFFFFFF, s30;
	[sflag:s4] =	ssyncset.done $0x0  }
.LBB2_2:
0x20a: {  	[sflag:s4] =	ssyncadd.s32 $0xFFFFFFB0  }
0x20b: {  	_ =	sfence.sel $0x180000  }
0x20c: {  	[bflag:$0x0] =	sbarrier.arrive $0xFFFF  }
0x20d: {  	_ =	strace $0x90000047  }
0x20e: {  	[bflag:$0x2] =	sbarrier.arrive $0xFFFF  }
0x20f: {  	p0 =	sne.s32 s3, $0x0;
	s0 =	rddreg [dreg:$0x2]  }
0x210: {  	s0 =	sadd.s32 @!p0 $0x100000, s0  }
0x211: {  	[sflag:s0] =	ssyncadd.tile.s32 @!p0 $0x1;
	_ =	shalt  }
.Lfunc_end2:
_tile_overlayer_lowered:
.L_overlay_start_2:
0x212: {  	(tag) =	ssettag $0x2  }
0x213: {  	s0 =	rddreg [dreg:$0x0];
	s2 =	stileid.u32  }
0x214: {  	s1 =	rddreg [dreg:$0x1];
	p0 =	sne.s32 s2, $0x0  }
0x215: {  	s3 =	rddreg [dreg:$0x2];
	[bflag:$0x3] =	sbarrier.arrive $0xFFFF;
	s2 =	simm.s32 @!p0 $0x1C02  }
0x216: {  	[timem:s3], [sflag:s2] =	dma.local @!p0 [hbm:s0], s1  }
0x217: {  	s0 =	simm.s32 @!p0 $0x2  }
0x218: {  	_ =	swait.ge @!p0 [sflag:s0], s1  }
0x219: {  	s1 =	ssub.s32 @!p0 $0x0, s1;
	[sflag:s0] =	ssyncset.done @!p0 $0x0  }
0x21a: {  	[sflag:s0] =	ssyncadd.s32 @!p0 s1  }
0x21b: {  	[bflag:$0x3] =	sbarrier.arrive $0xFFFF  }
0x21c: {  	_ =	shalt  }

// kernel: kernel.9.cloned.1.call-start
scs
__scs_entry_jumppad:
0x0: {  	(pc) =	sbr.rel $0x88, $3  }
0x1: {  	(tag) =	ssettag $0x0;
	lr =	simm.s32 $0x1  }
0x2: {  	[smem:$0x3F9C] =	sst lr;
	_ =	strace $0xD0000000  }
0x3: {  	_ = 	snop  }
0x4: {  	_ = 	snop  }
0x5: {  	_ = 	snop  }
0x6: {  	_ = 	snop  }
0x7: {  	_ = 	snop  }
__scs_overlays_trampoline_lowered:
0x8: {  	[smem:$0x3FAB] =	sst s0  }
0x9: {  	[smem:$0x3FAC] =	sst s1  }
0xa: {  	[smem:$0x3FAD] =	sst s2  }
0xb: {  	[smem:$0x3FAE] =	sst s3  }
0xc: {  	[smem:$0x3FAF] =	sst s4  }
0xd: {  	[smem:$0x3FB0] =	sst s5  }
0xe: {  	[smem:$0x3FB1] =	sst s6  }
0xf: {  	[smem:$0x3FB2] =	sst s7  }
0x10: {  	[smem:$0x3FB3] =	sst s8  }
0x11: {  	[smem:$0x3FB4] =	sst s9;
	s0 =	simm.s32 @!p0 $0x0  }
0x12: {  	s1 =	sld [smem:$0x3F9A];
	s0 =	simm.s32 @p0 $0x1  }
0x13: {  	[smem:$0x3FB5] =	sst s0;
	s0 =	simm.s32 @!p1 $0x0  }
0x14: {  	s2 =	sld [smem:$0x3F99];
	s0 =	simm.s32 @p1 $0x1  }
0x15: {  	[smem:$0x3FB6] =	sst s0;
	s0 =	simm.s32 @!p2 $0x0  }
0x16: {  	s3 =	sld [smem:$0x3FDB];
	s0 =	simm.s32 @p2 $0x1  }
0x17: {  	s4 =	simm.s32 $0x1BF5;
	[smem:$0x3FB8] =	sst s0  }
0x18: {  	s0 =	sld [smem:$0x3F9B];
	_ =	swait.ge [sflag:s4], $0x0  }
0x19: {  	s7 =	sld [smem:$0x3F9C]  }
0x1a: {  	s8 =	sadd.s32 $0xFFFFE003, lr  }
0x1b: {  	s9 =	sadd.s32 $0xFFFFFEF7, lr;
	s5 =	simm.s32 $0xFFFFFFFF;
	p2 =	slt.u32 s8, $0xFFFFF086  }
0x1c: {  	p1 =	slt.u32 s9, $0xF7A;
	s5 =	simm.s32 @!p2 $0x0  }
0x1d: {  	s5 =	simm.s32 @p1 $0x1;
	p0 =	seq.s32 s7, s2  }
0x1e: {  	s7 =	smul.u32 @!p0 $0xF7A, s2;
	p2 =	seq.s32 @!p0 s5, $0x0  }
0x1f: {  	s9 =	smul.u32 $0xF7A, s1;
	s8 =	simm.s32 @!p0 $0x1BF5;
	p2 =	por !p2, p0  }
0x20: {  	[sflag:s8] =	ssyncset.s32 @!p0 $0xFFFFF086;
	s6 =	sadd.s32 @!p0 s3, s7;
	s7 =	simm.s32 @!p0 $0x108  }
0x21: {  	s3 =	sadd.s32 s3, s9;
	s6 =	sadd.s32 @!p0 $0x88, s6;
	s7 =	simm.s32 @p2 $0x1082  }
0x22: {  	[simem:s7], [sflag:s8] =	dma.local @!p0 [hbm:s6], $0xF7A  }
0x23: {  	s9 =	sor.u32 $0xD0000000, s2;
	s6 =	simm.s32 $0x108;
	_ =	swait.ge @!p0 [sflag:s8], $0x0  }
0x24: {  	s3 =	sadd.s32 $0x88, s3;
	s6 =	simm.s32 @!p1 $0x1082;
	[sflag:s4] =	ssyncset.s32 $0xFFFFF086  }
0x25: {  	[simem:s6], [sflag:s4] =	dma.local [hbm:s3], $0xF7A  }
0x26: {  	[smem:$0x3F9C] =	sst s1;
	(tag) =	ssettag s2;
	_ =	strace s9  }
0x27: {  	s1 =	sld [smem:$0x3FAC]  }
0x28: {  	s2 =	sld [smem:$0x3FAD]  }
0x29: {  	s4 =	sld [smem:$0x3FAF]  }
0x2a: {  	p0 =	seq.s32 s5, $0x0;
	s5 =	sld [smem:$0x3FB0]  }
0x2b: {  	s6 =	sld [smem:$0x3FB1]  }
0x2c: {  	s7 =	sld [smem:$0x3FB2]  }
0x2d: {  	s3 =	simm.s32 $0x108;
	s8 =	sld [smem:$0x3FB3]  }
0x2e: {  	s3 =	simm.s32 @!p0 $0x1082;
	s9 =	sld [smem:$0x3FB4]  }
0x2f: {  	lr =	sadd.s32 s0, s3;
	s0 =	sld [smem:$0x3FAB]  }
0x30: {  	s3 =	sld [smem:$0x3FAE]  }
0x31: {  	[smem:$0x3FB7] =	sst s10  }
0x32: {  	s10 =	sld [smem:$0x3FB5];
	_ =	sdelay $0x3  }
0x33: {  	p0 =	seq.s32 s10, $0x1;
	s10 =	sld [smem:$0x3FB7];
	_ =	sdelay $0x3  }
0x34: {  	[smem:$0x3FB7] =	sst s10  }
0x35: {  	s10 =	sld [smem:$0x3FB6];
	_ =	sdelay $0x3  }
0x36: {  	p1 =	seq.s32 s10, $0x1;
	s10 =	sld [smem:$0x3FB7];
	_ =	sdelay $0x3  }
0x37: {  	[smem:$0x3FB7] =	sst s10  }
0x38: {  	s10 =	sld [smem:$0x3FB8]  }
0x39: {  	_ = 	snop;
	(pc) =	sbr.ind lr, $3  }
0x3a: {  	_ = 	snop  }
0x3b: {  	_ = 	snop  }
0x3c: {  	p2 =	seq.s32 s10, $0x1;
	s10 =	sld [smem:$0x3FB7]  }
0x3d: {  	_ =	shalt  }
0x3e: {  	_ =	shalt  }
0x3f: {  	_ =	shalt  }
0x40: {  	_ =	shalt  }
0x41: {  	_ =	shalt  }
0x42: {  	_ =	shalt  }
0x43: {  	_ =	shalt  }
0x44: {  	_ =	shalt  }
0x45: {  	_ =	shalt  }
0x46: {  	_ =	shalt  }
0x47: {  	_ =	shalt  }
0x48: {  	_ =	shalt  }
0x49: {  	_ =	shalt  }
0x4a: {  	_ =	shalt  }
0x4b: {  	_ =	shalt  }
0x4c: {  	_ =	shalt  }
0x4d: {  	_ =	shalt  }
0x4e: {  	_ =	shalt  }
0x4f: {  	_ =	shalt  }
0x50: {  	_ =	shalt  }
0x51: {  	_ =	shalt  }
0x52: {  	_ =	shalt  }
0x53: {  	_ =	shalt  }
0x54: {  	_ =	shalt  }
0x55: {  	_ =	shalt  }
0x56: {  	_ =	shalt  }
0x57: {  	_ =	shalt  }
0x58: {  	_ =	shalt  }
0x59: {  	_ =	shalt  }
0x5a: {  	_ =	shalt  }
0x5b: {  	_ =	shalt  }
0x5c: {  	_ =	shalt  }
0x5d: {  	_ =	shalt  }
0x5e: {  	_ =	shalt  }
0x5f: {  	_ =	shalt  }
0x60: {  	_ =	shalt  }
0x61: {  	_ =	shalt  }
0x62: {  	_ =	shalt  }
0x63: {  	_ =	shalt  }
0x64: {  	_ =	shalt  }
0x65: {  	_ =	shalt  }
0x66: {  	_ =	shalt  }
0x67: {  	_ =	shalt  }
0x68: {  	_ =	shalt  }
0x69: {  	_ =	shalt  }
0x6a: {  	_ =	shalt  }
0x6b: {  	_ =	shalt  }
0x6c: {  	_ =	shalt  }
0x6d: {  	_ =	shalt  }
0x6e: {  	_ =	shalt  }
0x6f: {  	_ =	shalt  }
0x70: {  	_ =	shalt  }
0x71: {  	_ =	shalt  }
0x72: {  	_ =	shalt  }
0x73: {  	_ =	shalt  }
0x74: {  	_ =	shalt  }
0x75: {  	_ =	shalt  }
0x76: {  	_ =	shalt  }
0x77: {  	_ =	shalt  }
0x78: {  	_ =	shalt  }
0x79: {  	_ =	shalt  }
0x7a: {  	_ =	shalt  }
0x7b: {  	_ =	shalt  }
0x7c: {  	_ =	shalt  }
0x7d: {  	_ =	shalt  }
0x7e: {  	_ =	shalt  }
0x7f: {  	_ =	shalt  }
0x80: {  	_ =	shalt  }
0x81: {  	_ =	shalt  }
0x82: {  	_ =	shalt  }
0x83: {  	_ =	shalt  }
0x84: {  	_ =	shalt  }
0x85: {  	_ =	shalt  }
0x86: {  	_ =	shalt  }
0x87: {  	_ =	shalt  }
.Lfunc_end0:
.L_simem_size_0:
called_computation.1_lowered:
.L_overlay_start_0:
0x88: {  	s2 =	sld [smem:$0x3FD9]  }
0x89: {  	s3 =	sld [smem:$0x3FFE];
	_ =	sdelay $0x1  }
0x8a: {  	s1 =	srdreg.scid  }
0x8b: {  	s0 =	sand.u32 $0x1, s1  }
0x8c: {  	s17 =	sshll.u32 s0, $0xA;
	s2 =	sadd.s32 s3, s2  }
0x8d: {  	s2 =	sadd.s32 s2, s17  }
0x8e: {  	[smem:$0x3FC3] =	sst s2  }
0x8f: {  	_ = 	snop  }
0x90: {  	s2 =	sld [smem:$0x3FD0];
	(tm) =	ssettm $0x1  }
0x91: {  	s18 =	sld [smem:$0x3FFB];
	_ =	sdelay $0x3  }
0x92: {  	_ =	strace s18  }
0x93: {  	s3 =	sld [smem:$0x3FFC];
	_ =	sdelay $0x3  }
0x94: {  	_ =	strace s3  }
0x95: {  	s3 =	sld [smem:$0x3FFD];
	_ =	sdelay $0x3  }
0x96: {  	_ =	strace s3  }
0x97: {  	_ =	strace $0x8FFFFFFF  }
0x98: {  	s19 =	sld [smem:$0x3FDB];
	_ =	sdelay $0x1  }
0x99: {  	s4 =	simm.s32 $_scs_section_size  }
0x9a: {  	s5 =	simm.s32 $_size__tile_overlayer_lowered;
	s6 =	simm.s32 $_tile_overlayer_lowered  }
0x9b: {  	s22 =	simm.s32 $0x1BFF;
	s21 =	sshll.u32 s6, $0x1;
	s3 =	sadd.s32 s4, s19  }
0x9c: {  	s7 =	simm.s32 $0x0;
	s20 =	sshll.u32 s5, $0x1;
	s5 =	sadd.s32 s21, s3  }
0x9d: {  	[timem:s7], [sflag:s22] =	dma.local [hbm:s5], s20  }
0x9e: {  	_ =	swait.ge [sflag:s22], s20  }
0x9f: {  	s4 =	ssub.s32 $0x0, s20;
	[sflag:s22] =	ssyncset.done $0x0  }
0xa0: {  	[sflag:s22] =	ssyncadd.s32 s4;
	_ =	sdelay $0x1  }
0xa1: {  	s23 =	simm.s32 $0x1B8B  }
0xa2: {  	_ =	swait.ge [sflag:s23], $0x1  }
0xa3: {  	[sflag:s23] =	ssyncset.done $0x0  }
0xa4: {  	s25 =	simm.s32 $0x1B8E;
	s24 =	sld [smem:$0x3FFE];
	[sflag:s23] =	ssyncadd.s32 $0xFFFFFFFF  }
0xa5: {  	s26 =	simm.s32 $execute0_lowered;
	[smem:$0x3FD2] =	sst s25  }
0xa6: {  	s5 =	sshll.u32 s26, $0x1;
	_ =	strace $0x80000049;
	[dreg:$0x1] =	wrdreg $0xFFFFFFFF  }
0xa7: {  	s28 =	simm.s32 $_size_execute0_lowered;
	s3 =	sadd.s32 s3, s5;
	[dreg:$0x0] =	wrdreg $0x0  }
0xa8: {  	s5 =	sshll.u32 s28, $0x1;
	[dreg:$0x2] =	wrdreg s3  }
0xa9: {  	[dreg:$0x3] =	wrdreg s5  }
0xaa: {  	[dreg:$0x4] =	wrdreg $0xC0  }
0xab: {  	_ =	task [dreg:s7], $0x5FFFF  }
0xac: {  	[dreg:$0x1] =	wrdreg $0xFFFFFFFF  }
0xad: {  	[dreg:$0x0] =	wrdreg $0x60  }
0xae: {  	[dreg:$0x2] =	wrdreg s24  }
0xaf: {  	[dreg:$0x3] =	wrdreg s2  }
0xb0: {  	[dreg:$0x4] =	wrdreg $0xB9800  }
0xb1: {  	[dreg:$0x5] =	wrdreg $0x9  }
0xb2: {  	_ =	task.clear_ibuf [dreg:s7], $0x6FFFF;
	_ =	strace $0x90000049  }
0xb3: {  	s29 =	simm.s32 $0x9;
	_ =	strace $0x8000004B  }
0xb4: {  	_ =	swait.ge [sflag:s29], $0x1  }
0xb5: {  	[sflag:s29] =	ssyncadd.s32 $0xFFFFFFFF  }
0xb6: {  	_ =	strace $0x9000004B  }
0xb7: {  	_ =	sfence  }
0xb8: {  	s30 =	sld [smem:$0x0];
	_ =	sdelay $0x2  }
0xb9: {  	s31 =	sshll.u32 s1, $0xD;
	s1 =	sshrl.u32 s1, $0x2  }
0xba: {  	s3 =	sand.u32 $0x4000, s31;
	s1 =	sadd.s32 s1, s30  }
0xbb: {  	s0 =	sor.u32 s3, s0;
	s1 =	sshll.u32 s1, $0x11  }
0xbc: {  	s0 =	sor.u32 s1, s0  }
0xbd: {  	s0 =	sadd.s32 $0x8F2B, s0  }
0xbe: {  	[sflag:s0] =	ssyncadd.remote.s32 $0x1  }
0xbf: {  	_ =	sfence.sel $0xFFFF  }
0xc0: {  	[dreg:$0x0] =	wrdreg $0xFFFFFFFF;
	(pc) =	sbr.abs _section_cstart, $3  }
0xc1: {  	[dreg:$0x1] =	wrdreg $0xFFFFFFFF  }
0xc2: {  	_ =	task.clear_ibuf [dreg:s7], $0x2FFFF;
	_ =	strace $0x9FFFFFFF  }
0xc3: {  	(tm) =	ssettm $0x7FFFFFFF  }
tec
execute0_lowered:
.L_overlay_start_1:
0x0: {  	(tag) =	ssettag $0x1  }
0x1: {  	s0 =	rddreg [dreg:$0x0]  }
0x2: {  	s2 =	rddreg [dreg:$0x1]  }
0x3: {  	s1 =	srdreg.scid;
	s3 =	rddreg [dreg:$0x2]  }
0x4: {  	s12 =	stileid.u32;
	s4 =	simm.s32 $0x0;
	s28 =	simm.s32 $0x50  }
0x5: {  	s29 =	simm.s32 $0x8;
	s30 =	simm.s32 $0x6800;
	s31 =	simm.s32 $0x1  }
0x6: {  	s13 =	simm.s32 $0x0;
	s1 =	sand.u32 $0x1, s1;
	s7 =	smul.u32 $0x14000, s12  }
0x7: {  	[smem:$0x7FF] =	sst s4;
	s8 =	sshll.u32 s12, $0xB;
	s9 =	smul.u32 $0x50000, s12  }
0x8: {  	s5 =	sadd.s32 $0xDA00, s0;
	s18 =	sshll.u32 s12, $0xE;
	s12 =	simm.s32 $0x6  }
0x9: {  	s6 =	smul.u32 $0x140000, s1;
	_ =	strace $0x8000004A;
	s8 =	sadd.s32 s8, s0  }
0xa: {  	s16 =	ssub.s32 $0x2, s1;
	s1 =	sshll.u32 s1, $0x12;
	s9 =	sshrl.u32 s9, $0x2  }
0xb: {  	s11 =	sshrl.u32 s16, $0x1;
	s8 =	sadd.s32 $0x5A00, s8;
	s6 =	sadd.s32 s7, s6  }
0xc: {  	s7 =	ssub.s32 s16, s11;
	s11 =	sor.u32 s18, s1;
	[dreg:$0xb] =	wrdreg s8  }
0xd: {  	s10 =	sshrl.u32 s6, $0x3;
	s6 =	sadd.s32 s9, s3;
	s26 =	smax.u32 s7, $0x1  }
0xe: {  	s8 =	simm.s32 $0x4;
	s9 =	sadd.s32 $0x2800, s6;
	[dreg:$0xf] =	wrdreg s26  }
0xf: {  	s23 =	sshrl.u32 s11, $0x3;
	s17 =	sadd.s32 $0x5000, s6;
	[dreg:$0x4] =	wrdreg s9  }
0x10: {  	s7 =	simm.s32 $0x2;
	s19 =	sadd.s32 $0x7800, s6;
	[dreg:$0x5] =	wrdreg s17  }
0x11: {  	s0 =	sadd.s32 s10, s0;
	s20 =	sadd.s32 $0xA000, s6;
	[dreg:$0x6] =	wrdreg s19  }
0x12: {  	s21 =	sadd.s32 $0xC800, s6;
	s22 =	sadd.s32 $0xF000, s6;
	[dreg:$0x7] =	wrdreg s20  }
0x13: {  	s24 =	sadd.s32 $0x11800, s6;
	s16 =	sadd.s32 s2, s23;
	[dreg:$0x8] =	wrdreg s21  }
0x14: {  	s23 =	simm.s32 $0xB800;
	s26 =	simm.s32 $0x7;
	[dreg:$0x9] =	wrdreg s22  }
0x15: {  	s10 =	simm.s32 $0x5;
	[dreg:$0xa] =	wrdreg s24;
	s1 =	sadd.s32 $0x10, s16  }
0x16: {  	s25 =	sadd.s32 $0x20, s16;
	s0 =	sadd.s32 $0x5DA00, s0;
	[dreg:$0xc] =	wrdreg s1  }
0x17: {  	s21 =	simm.s32 $0x4000;
	s22 =	simm.s32 $0xA;
	[dreg:$0xd] =	wrdreg s25  }
0x18: {  	s24 =	simm.s32 $0xB880;
	s9 =	simm.s32 $0x3;
	[dreg:$0xe] =	wrdreg s0  }
0x19: {  	v0 =	vimm.f32 $0.0e+00;
	s25 =	simm.s32 $0xB900;
	s0 =	simm.s32 $0x9;
	s1 =	simm.s32 $0x9000  }
.LBB2_1:
0x1a: {  	s14 =	simm.s32 $0x0;
	s15 =	simm.s32 $0x200  }
.LBB2_2:
0x1b: {  	p0 =	sne.s32 s15, $0x9E00;
	[tilespmem:s14+$0x4070] =	vst v0  }
0x1c: {  	[tilespmem:s14+$0x4000] =	vst v0  }
0x1d: {  	[tilespmem:s14+$0x4010] =	vst v0  }
.Ltmp0:
0x1e: {  	[tilespmem:s14+$0x4020] =	vst v0;
	(pc) =	sbr.rel @p0 .LBB2_2-.Ltmp0, $4  }
0x1f: {  	[tilespmem:s14+$0x4030] =	vst v0  }
0x20: {  	[tilespmem:s14+$0x4040] =	vst v0  }
0x21: {  	[tilespmem:s14+$0x4050] =	vst v0  }
0x22: {  	[tilespmem:s14+$0x4060] =	vst v0;
	s14 =	sshra.s32 s15, $0x2;
	s15 =	sadd.s32 $0x200, s15  }
0x23: {  	[tilespmem:s14+$0x4070] =	vst v0  }
0x24: {  	[tilespmem:s14+$0x4000] =	vst v0  }
0x25: {  	[tilespmem:s14+$0x4010] =	vst v0  }
0x26: {  	[tilespmem:s14+$0x4020] =	vst v0  }
0x27: {  	[tilespmem:s14+$0x4030] =	vst v0  }
0x28: {  	[tilespmem:s14+$0x4040] =	vst v0  }
0x29: {  	[tilespmem:s14+$0x4050] =	vst v0  }
0x2a: {  	[tilespmem:s14+$0x4060] =	vst v0  }
0x2b: {  	[spmem:s6] =	stream.linear.scatter [tilespmem:s21], [sflag:$0xA], $0x2800, $0x38;
	[tilespmem:$0x1F980] =	vst v63  }
0x2c: {  	_ =	swait.ge [sflag:s22], $0x2800  }
0x2d: {  	[sflag:s22] =	ssyncset.done $0x0  }
0x2e: {  	s20 =	rddreg [dreg:$0x4];
	[sflag:s22] =	ssyncadd.s32 $0xFFFFD800  }
0x2f: {  	[spmem:s20] =	stream.linear.scatter [tilespmem:s21], [sflag:$0xA], $0x2800, $0x38;
	[tilespmem:$0x1F980] =	vst v63  }
0x30: {  	_ =	swait.ge [sflag:s22], $0x2800  }
0x31: {  	[sflag:s22] =	ssyncset.done $0x0  }
0x32: {  	s15 =	rddreg [dreg:$0x5];
	[sflag:s22] =	ssyncadd.s32 $0xFFFFD800  }
0x33: {  	[spmem:s15] =	stream.linear.scatter [tilespmem:s21], [sflag:$0xA], $0x2800, $0x38;
	[tilespmem:$0x1F980] =	vst v63  }
0x34: {  	_ =	swait.ge [sflag:s22], $0x2800  }
0x35: {  	[sflag:s22] =	ssyncset.done $0x0  }
0x36: {  	s17 =	rddreg [dreg:$0x6];
	[sflag:s22] =	ssyncadd.s32 $0xFFFFD800  }
0x37: {  	[spmem:s17] =	stream.linear.scatter [tilespmem:s21], [sflag:$0xA], $0x2800, $0x38;
	[tilespmem:$0x1F980] =	vst v63  }
0x38: {  	_ =	swait.ge [sflag:s22], $0x2800  }
0x39: {  	[sflag:s22] =	ssyncset.done $0x0  }
0x3a: {  	s18 =	rddreg [dreg:$0x7];
	[sflag:s22] =	ssyncadd.s32 $0xFFFFD800  }
0x3b: {  	[spmem:s18] =	stream.linear.scatter [tilespmem:s21], [sflag:$0xA], $0x2800, $0x38;
	[tilespmem:$0x1F980] =	vst v63  }
0x3c: {  	_ =	swait.ge [sflag:s22], $0x2800  }
0x3d: {  	[sflag:s22] =	ssyncset.done $0x0  }
0x3e: {  	s19 =	rddreg [dreg:$0x8];
	[sflag:s22] =	ssyncadd.s32 $0xFFFFD800  }
0x3f: {  	[spmem:s19] =	stream.linear.scatter [tilespmem:s21], [sflag:$0xA], $0x2800, $0x38;
	[tilespmem:$0x1F980] =	vst v63  }
0x40: {  	_ =	swait.ge [sflag:s22], $0x2800  }
0x41: {  	[sflag:s22] =	ssyncset.done $0x0  }
0x42: {  	s20 =	rddreg [dreg:$0x9];
	[sflag:s22] =	ssyncadd.s32 $0xFFFFD800  }
0x43: {  	[spmem:s20] =	stream.linear.scatter [tilespmem:s21], [sflag:$0xA], $0x2800, $0x38;
	[tilespmem:$0x1F980] =	vst v63  }
0x44: {  	_ =	swait.ge [sflag:s22], $0x2800  }
0x45: {  	[sflag:s22] =	ssyncset.done $0x0  }
0x46: {  	s15 =	rddreg [dreg:$0xa];
	[sflag:s22] =	ssyncadd.s32 $0xFFFFD800  }
0x47: {  	[spmem:s15] =	stream.linear.scatter [tilespmem:s21], [sflag:$0xA], $0x2800, $0x38;
	[tilespmem:$0x1F980] =	vst v63  }
0x48: {  	_ =	swait.ge [sflag:s22], $0x2800  }
0x49: {  	[sflag:s22] =	ssyncset.done $0x0  }
0x4a: {  	s17 =	rddreg [dreg:$0xb];
	[sflag:s22] =	ssyncadd.s32 $0xFFFFD800  }
0x4b: {  	[tilespmem:s4], [sflag:$0xA] =	stream.linear.gather [hbm4b:s17+s4], $0x3E80, $0x38;
	[tilespmem:$0x1F980] =	vst v63  }
0x4c: {  	_ =	swait.ge [sflag:s22], $0x3E80  }
0x4d: {  	[sflag:s22] =	ssyncset.done $0x0  }
0x4e: {  	[sflag:s22] =	ssyncadd.s32 $0xFFFFC180  }
0x4f: {  	[bflag:$0x0] =	sbarrier.arrive $0xFFFF  }
0x50: {  	[tilespmem:s23], [sflag:$0x7] =	stream.linear.gather [hbm4b:s16+s4], $0x80, $0x38;
	[tilespmem:$0x1F980] =	vst v63  }
0x51: {  	s18 =	rddreg [dreg:$0xc]  }
0x52: {  	[tilespmem:s24], [sflag:$0x8] =	stream.linear.gather [hbm4b:s18+s4], $0x80, $0x38;
	[tilespmem:$0x1F980] =	vst v63  }
0x53: {  	s19 =	rddreg [dreg:$0xd]  }
0x54: {  	[tilespmem:s25], [sflag:$0x9] =	stream.linear.gather [hbm4b:s19+s4], $0x80, $0x38;
	[tilespmem:$0x1F980] =	vst v63  }
0x55: {  	_ =	swait.ge [sflag:s26], $0x80  }
0x56: {  	[sflag:s26] =	ssyncset.done $0x0  }
0x57: {  	[sflag:s26] =	ssyncadd.s32 $0xFFFFFF80  }
0x58: {  	[tilespmem:s21], [sflag:$0x1] =	stream.indirect.gather [hbm4b:s5+s28], $0x80, s23, s28, $0xb8;
	[tilespmem:$0x1F980] =	vst v63  }
0x59: {  	_ =	swait.ge [sflag:s29], $0x80  }
0x5a: {  	s20 =	simm.s32 $0x180;
	[sflag:s29] =	ssyncset.done $0x0  }
0x5b: {  	s15 =	sand.u32 $0xFC00, s20;
	[sflag:s29] =	ssyncadd.s32 $0xFFFFFF80  }
0x5c: {  	[tilespmem:s30], [sflag:$0x2] =	stream.indirect.gather [hbm4b:s5+s28], $0x80, s24, s28, $0xb8;
	[tilespmem:$0x1F980] =	vst v63  }
0x5d: {  	s14 =	sand.u32 $0x380, s20;
	s15 =	sadd.s32 s11, s15;
	_ =	swait.ge [sflag:s31], $0x2800  }
0x5e: {  	s14 =	sor.u32 s14, s15;
	[sflag:s31] =	ssyncset.done $0x0  }
0x5f: {  	s14 =	sshrl.u32 s14, $0x3;
	s17 =	simm.s32 $0x0;
	[sflag:s31] =	ssyncadd.s32 $0xFFFFD800  }
0x60: {  	[spmem:s3] =	stream.indirect.scatter.add.f32 [tilespmem:s21], [sflag:$0x4], $0x80, s17, s28, $0xb8;
	[tilespmem:$0x1F980] =	vst v63  }
0x61: {  	p0 =	por $0x1, $0x1;
	s14 =	sadd.s32 s2, s14  }
0x62: {  	[tilespmem:s23], [sflag:$0x7] =	stream.linear.gather [hbm4b:s14+s4], $0x80, $0x38;
	[tilespmem:$0x1F980] =	vst v63  }
0x63: {  	s14 =	simm.s32 @!p0 $0x6  }
0x64: {  	_ =	swait.ge @!p0 [sflag:s14], $0x2800  }
0x65: {  	[sflag:s14] =	ssyncset.done @!p0 $0x0  }
0x66: {  	[sflag:s14] =	ssyncadd.s32 @!p0 $0xFFFFD800  }
0x67: {  	_ =	swait.ge [sflag:s0], $0x80  }
0x68: {  	s18 =	simm.s32 $0x200;
	[sflag:s0] =	ssyncset.done $0x0  }
0x69: {  	s19 =	sand.u32 $0xFC00, s18;
	[sflag:s0] =	ssyncadd.s32 $0xFFFFFF80  }
0x6a: {  	[tilespmem:s1], [sflag:$0x3] =	stream.indirect.gather [hbm4b:s5+s28], $0x80, s25, s28, $0xb8;
	[tilespmem:$0x1F980] =	vst v63  }
0x6b: {  	s15 =	sadd.s32 s11, s19;
	s14 =	sand.u32 $0x380, s18;
	_ =	swait.ge [sflag:s7], $0x2800  }
0x6c: {  	s14 =	sor.u32 s14, s15;
	[sflag:s7] =	ssyncset.done $0x0  }
0x6d: {  	s20 =	simm.s32 $0x80;
	s14 =	sshrl.u32 s14, $0x3;
	[sflag:s7] =	ssyncadd.s32 $0xFFFFD800  }
0x6e: {  	[spmem:s3] =	stream.indirect.scatter.add.f32 [tilespmem:s30], [sflag:$0x5], $0x80, s20, s28, $0xb8;
	[tilespmem:$0x1F980] =	vst v63  }
0x6f: {  	s14 =	sadd.s32 s2, s14  }
0x70: {  	[tilespmem:s24], [sflag:$0x8] =	stream.linear.gather [hbm4b:s14+s4], $0x80, $0x38;
	[tilespmem:$0x1F980] =	vst v63  }
0x71: {  	_ =	swait.ge [sflag:s8], $0x2800  }
0x72: {  	[sflag:s8] =	ssyncset.done $0x0  }
0x73: {  	[sflag:s8] =	ssyncadd.s32 $0xFFFFD800  }
0x74: {  	_ =	swait.ge [sflag:s26], $0x80  }
0x75: {  	[sflag:s26] =	ssyncset.done $0x0  }
0x76: {  	p1 =	por $0x0, $0x0;
	s14 =	simm.s32 $0x280;
	[sflag:s26] =	ssyncadd.s32 $0xFFFFFF80  }
0x77: {  	[tilespmem:s21], [sflag:$0x1] =	stream.indirect.gather [hbm4b:s5+s28], $0x80, s23, s28, $0xb8;
	[tilespmem:$0x1F980] =	vst v63  }
0x78: {  	s15 =	sand.u32 @!p1 $0xFC00, s14;
	_ =	swait.ge [sflag:s9], $0x2800  }
0x79: {  	s14 =	sand.u32 @!p1 $0x380, s14;
	s15 =	sadd.s32 @!p1 s11, s15;
	[sflag:s9] =	ssyncset.done $0x0  }
0x7a: {  	s17 =	simm.s32 $0x100;
	s15 =	sor.u32 @!p1 s14, s15;
	[sflag:s9] =	ssyncadd.s32 $0xFFFFD800  }
0x7b: {  	[spmem:s3] =	stream.indirect.scatter.add.f32 [tilespmem:s1], [sflag:$0x6], $0x80, s17, s28, $0xb8;
	[tilespmem:$0x1F980] =	vst v63  }
0x7c: {  	s19 =	simm.s32 @!p1 $0xB900;
	s18 =	simm.s32 @!p1 $0x0;
	s17 =	sshrl.u32 @!p1 s15, $0x3  }
0x7d: {  	s14 =	simm.s32 $0x400;
	s15 =	simm.s32 $0x280;
	s17 =	sadd.s32 @!p1 s2, s17  }
.LBB2_4:
0x7e: {  	[tilespmem:s19], [sflag:$0x9] =	stream.linear.gather @!p1 [hbm4b:s17+s18], $0x80, $0x38;
	[tilespmem:$0x1F980] =	vst v63  }
0x7f: {  	s18 =	smov.u32 s14;
	s17 =	smov.u32 s15  }
0x80: {  	s14 =	sadd.s32 $0x180, s14;
	s19 =	sadd.s32 $0xFFFFFF00, s18;
	_ =	swait.ge [sflag:s10], $0x2800  }
0x81: {  	p0 =	sne.s32 s14, $0x4000;
	s20 =	sand.u32 $0xFC00, s19;
	[sflag:s10] =	ssyncset.done $0x0  }
0x82: {  	s19 =	sand.u32 $0x380, s19;
	s20 =	sadd.s32 s11, s20;
	[sflag:s10] =	ssyncadd.s32 $0xFFFFD800  }
0x83: {  	s19 =	sor.u32 s19, s20;
	_ =	swait.ge [sflag:s29], $0x80  }
0x84: {  	s19 =	sshrl.u32 s19, $0x3;
	[sflag:s29] =	ssyncset.done $0x0  }
0x85: {  	[sflag:s29] =	ssyncadd.s32 $0xFFFFFF80  }
0x86: {  	[tilespmem:s30], [sflag:$0x2] =	stream.indirect.gather [hbm4b:s5+s28], $0x80, s24, s28, $0xb8;
	[tilespmem:$0x1F980] =	vst v63  }
0x87: {  	s20 =	sadd.s32 $0xFFFFFF00, s15;
	_ =	swait.ge [sflag:s31], $0x2800  }
0x88: {  	[sflag:s31] =	ssyncset.done $0x0  }
0x89: {  	[sflag:s31] =	ssyncadd.s32 $0xFFFFD800  }
0x8a: {  	[spmem:s3] =	stream.indirect.scatter.add.f32 [tilespmem:s21], [sflag:$0x4], $0x80, s20, s28, $0xb8;
	[tilespmem:$0x1F980] =	vst v63  }
0x8b: {  	p1 =	seq.s32 s18, $0x280;
	s19 =	sadd.s32 s2, s19  }
0x8c: {  	[tilespmem:s23], [sflag:$0x7] =	stream.linear.gather [hbm4b:s19+s4], $0x80, $0x38;
	[tilespmem:$0x1F980] =	vst v63  }
0x8d: {  	s19 =	simm.s32 @!p1 $0x6  }
0x8e: {  	_ =	swait.ge @!p1 [sflag:s19], $0x2800  }
0x8f: {  	[sflag:s19] =	ssyncset.done @!p1 $0x0  }
0x90: {  	[sflag:s19] =	ssyncadd.s32 @!p1 $0xFFFFD800  }
0x91: {  	s19 =	sadd.s32 $0xFFFFFF80, s18;
	_ =	swait.ge [sflag:s0], $0x80  }
0x92: {  	s20 =	sand.u32 $0xFC00, s19;
	[sflag:s0] =	ssyncset.done $0x0  }
0x93: {  	s19 =	sand.u32 $0x380, s19;
	s20 =	sadd.s32 s11, s20;
	[sflag:s0] =	ssyncadd.s32 $0xFFFFFF80  }
0x94: {  	[tilespmem:s1], [sflag:$0x3] =	stream.indirect.gather [hbm4b:s5+s28], $0x80, s25, s28, $0xb8;
	[tilespmem:$0x1F980] =	vst v63  }
0x95: {  	s19 =	sor.u32 s19, s20;
	_ =	swait.ge [sflag:s7], $0x2800  }
0x96: {  	s20 =	sadd.s32 $0xFFFFFF80, s15;
	s19 =	sshrl.u32 s19, $0x3;
	[sflag:s7] =	ssyncset.done $0x0  }
0x97: {  	[sflag:s7] =	ssyncadd.s32 $0xFFFFD800  }
0x98: {  	[spmem:s3] =	stream.indirect.scatter.add.f32 [tilespmem:s30], [sflag:$0x5], $0x80, s20, s28, $0xb8;
	[tilespmem:$0x1F980] =	vst v63  }
0x99: {  	s19 =	sadd.s32 s2, s19  }
0x9a: {  	[tilespmem:s24], [sflag:$0x8] =	stream.linear.gather [hbm4b:s19+s4], $0x80, $0x38;
	[tilespmem:$0x1F980] =	vst v63  }
0x9b: {  	_ =	swait.ge [sflag:s8], $0x2800  }
0x9c: {  	[sflag:s8] =	ssyncset.done $0x0  }
0x9d: {  	[sflag:s8] =	ssyncadd.s32 $0xFFFFD800  }
0x9e: {  	_ =	swait.ge [sflag:s26], $0x80  }
0x9f: {  	p1 =	seq.s32 s18, $0x3E80;
	[sflag:s26] =	ssyncset.done $0x0  }
0xa0: {  	s19 =	sand.u32 @!p1 $0xFC00, s18;
	s18 =	sand.u32 @!p1 $0x380, s18;
	[sflag:s26] =	ssyncadd.s32 $0xFFFFFF80  }
0xa1: {  	[tilespmem:s21], [sflag:$0x1] =	stream.indirect.gather [hbm4b:s5+s28], $0x80, s23, s28, $0xb8;
	[tilespmem:$0x1F980] =	vst v63  }
.Ltmp1:
0xa2: {  	s19 =	sadd.s32 @!p1 s11, s19;
	_ =	swait.ge [sflag:s9], $0x2800;
	(pc) =	sbr.rel @p0 .LBB2_4-.Ltmp1, $4  }
0xa3: {  	s18 =	sor.u32 @!p1 s18, s19;
	[sflag:s9] =	ssyncset.done $0x0  }
0xa4: {  	s15 =	sadd.s32 $0x180, s15;
	s18 =	sshrl.u32 @!p1 s18, $0x3;
	[sflag:s9] =	ssyncadd.s32 $0xFFFFD800  }
0xa5: {  	[spmem:s3] =	stream.indirect.scatter.add.f32 [tilespmem:s1], [sflag:$0x6], $0x80, s17, s28, $0xb8;
	[tilespmem:$0x1F980] =	vst v63  }
0xa6: {  	s19 =	simm.s32 @!p1 $0xB900;
	s17 =	sadd.s32 @!p1 s2, s18;
	s18 =	simm.s32 @!p1 $0x0  }
0xa7: {  	[tilespmem:s19], [sflag:$0x9] =	stream.linear.gather @!p1 [hbm4b:s17+s18], $0x80, $0x38;
	[tilespmem:$0x1F980] =	vst v63  }
0xa8: {  	_ =	swait.ge [sflag:s10], $0x2800  }
0xa9: {  	[sflag:s10] =	ssyncset.done $0x0  }
0xaa: {  	[sflag:s10] =	ssyncadd.s32 $0xFFFFD800  }
0xab: {  	_ =	swait.ge [sflag:s29], $0x80  }
0xac: {  	[sflag:s29] =	ssyncset.done $0x0  }
0xad: {  	[sflag:s29] =	ssyncadd.s32 $0xFFFFFF80  }
0xae: {  	[tilespmem:s30], [sflag:$0x2] =	stream.indirect.gather [hbm4b:s5+s28], $0x80, s24, s28, $0xb8;
	[tilespmem:$0x1F980] =	vst v63  }
0xaf: {  	_ =	swait.ge [sflag:s31], $0x2800  }
0xb0: {  	[sflag:s31] =	ssyncset.done $0x0  }
0xb1: {  	s14 =	simm.s32 $0x3D80;
	[sflag:s31] =	ssyncadd.s32 $0xFFFFD800  }
0xb2: {  	[spmem:s3] =	stream.indirect.scatter.add.f32 [tilespmem:s21], [sflag:$0x4], $0x80, s14, s28, $0xb8;
	[tilespmem:$0x1F980] =	vst v63  }
0xb3: {  	_ =	swait.ge [sflag:s7], $0x2800  }
0xb4: {  	[sflag:s7] =	ssyncset.done $0x0  }
0xb5: {  	s17 =	simm.s32 $0x3E00;
	[sflag:s7] =	ssyncadd.s32 $0xFFFFD800  }
0xb6: {  	[spmem:s3] =	stream.indirect.scatter.add.f32 [tilespmem:s30], [sflag:$0x5], $0x80, s17, s28, $0xb8;
	[tilespmem:$0x1F980] =	vst v63  }
0xb7: {  	_ =	swait.ge [sflag:s12], $0x2800  }
0xb8: {  	[sflag:s12] =	ssyncset.done $0x0  }
0xb9: {  	[sflag:s12] =	ssyncadd.s32 $0xFFFFD800  }
0xba: {  	_ =	swait.ge [sflag:s8], $0x2800  }
0xbb: {  	[sflag:s8] =	ssyncset.done $0x0  }
0xbc: {  	[sflag:s8] =	ssyncadd.s32 $0xFFFFD800  }
0xbd: {  	_ =	swait.ge [sflag:s10], $0x2800  }
0xbe: {  	[sflag:s10] =	ssyncset.done $0x0  }
0xbf: {  	s18 =	stileid.u32;
	[sflag:s10] =	ssyncadd.s32 $0xFFFFD800  }
0xc0: {  	s14 =	sshll.u32 s18, $0x6;
	[bflag:$0x0] =	sbarrier.arrive $0xFFFF  }
0xc1: {  	s15 =	sshrl.u32 s6, $0x3;
	s14 =	sor.u32 $0x1C0A, s14;
	s19 =	rddreg [dreg:$0xe]  }
0xc2: {  	[hbm:s19], [sflag:s14] =	dma.local [spmem:s15], $0x2800  }
0xc3: {  	_ =	swait.ge [sflag:s22], $0x2800  }
0xc4: {  	s13 =	sadd.s32 $0x1, s13;
	s20 =	rddreg [dreg:$0xf]  }
0xc5: {  	p0 =	sne.s32 s13, s20  }
.Ltmp2:
0xc6: {  	_ = 	snop;
	(pc) =	sbr.rel @p0 .LBB2_1-.Ltmp2, $3  }
0xc7: {  	_ =	sdelay $0x1  }
0xc8: {  	[sflag:s22] =	ssyncset.done $0x0  }
0xc9: {  	[sflag:s22] =	ssyncadd.s32 $0xFFFFD800  }
0xca: {  	_ =	sfence.sel $0x180000  }
0xcb: {  	[bflag:$0x0] =	sbarrier.arrive $0xFFFF  }
0xcc: {  	_ =	strace $0x9000004A  }
0xcd: {  	s0 =	stileid.u32;
	[bflag:$0x2] =	sbarrier.arrive $0xFFFF  }
0xce: {  	p0 =	sne.s32 s0, $0x0;
	s0 =	rddreg [dreg:$0x3]  }
0xcf: {  	s0 =	sadd.s32 @!p0 $0x100000, s0  }
0xd0: {  	[sflag:s0] =	ssyncadd.tile.s32 @!p0 $0x1;
	_ =	shalt  }
.Lfunc_end2:
_tile_overlayer_lowered:
.L_overlay_start_2:
0xd1: {  	(tag) =	ssettag $0x2  }
0xd2: {  	s0 =	rddreg [dreg:$0x0];
	s2 =	stileid.u32  }
0xd3: {  	s1 =	rddreg [dreg:$0x1];
	p0 =	sne.s32 s2, $0x0  }
0xd4: {  	s3 =	rddreg [dreg:$0x2];
	[bflag:$0x3] =	sbarrier.arrive $0xFFFF;
	s2 =	simm.s32 @!p0 $0x1C0A  }
0xd5: {  	[timem:s3], [sflag:s2] =	dma.local @!p0 [hbm:s0], s1  }
0xd6: {  	s0 =	simm.s32 @!p0 $0xA  }
0xd7: {  	_ =	swait.ge @!p0 [sflag:s0], s1  }
0xd8: {  	s1 =	ssub.s32 @!p0 $0x0, s1;
	[sflag:s0] =	ssyncset.done @!p0 $0x0  }
0xd9: {  	[sflag:s0] =	ssyncadd.s32 @!p0 s1  }
0xda: {  	[bflag:$0x3] =	sbarrier.arrive $0xFFFF  }
0xdb: {  	_ =	shalt  }

</sc_bundles>
